<compile_context>
chip_gen: v7x
topology: tpu7x:2x2x1
jax: 0.10.2.dev20260603
libtpu: 0.0.44.dev20260713+nightly
codegen_flags: <defaults>
</compile_context>

<pallas_src>
import functools

import jax
import jax.numpy as jnp
from jax import lax
from jax.experimental import pallas as pl
from jax.experimental.pallas import tpu as pltpu
from jax.experimental.pallas import tpu_sc as plsc

N = 10000
E = 320000
D = 128

NC = 2
NS = 16
NW = NC * NS
CHUNK = 128
NBUF = 2
GROUP = 8
NCHUNKS = 80
NGROUPS = NCHUNKS // GROUP
EPW = NCHUNKS * CHUNK
E_PAD = NW * EPW
N_PAD = 10240
ROWS_PER_TILE = N_PAD // NS
ROW_STEPS = ROWS_PER_TILE // CHUNK

ROW_BLK = 10000
GRID = N // ROW_BLK


def _msg_body(x_ref, w_ref, b_ref, o_ref):
    acc = jnp.dot(x_ref[...], w_ref[...], preferred_element_type=jnp.float32)
    o_ref[...] = jnp.maximum(acc + b_ref[...], 0.0)


def _msg_transform(x, w, b):
    return pl.pallas_call(
        _msg_body,
        grid=(GRID,),
        in_specs=[
            pl.BlockSpec((ROW_BLK, D), lambda i: (i, 0)),
            pl.BlockSpec((D, D), lambda i: (0, 0)),
            pl.BlockSpec((1, D), lambda i: (0, 0)),
        ],
        out_specs=pl.BlockSpec((ROW_BLK, D), lambda i: (i, 0)),
        out_shape=jax.ShapeDtypeStruct((N, D), jnp.float32),
    )(x, w, b)


@functools.cache
def _make_segment_sum_sc():
    mesh = plsc.VectorSubcoreMesh(
        core_axis_name="c", subcore_axis_name="s",
        num_cores=NC, num_subcores=NS)
    return pl.kernel(
        _segment_sum_body,
        out_type=jax.ShapeDtypeStruct((NC, N_PAD, D), jnp.float32),
        mesh=mesh,
        scratch_types=[
            pltpu.VMEM((2, GROUP, CHUNK), jnp.int32),
            pltpu.VMEM((2, GROUP, CHUNK), jnp.int32),
            pltpu.VMEM((NBUF, CHUNK, D), jnp.float32),
            pltpu.VMEM_SHARED((N_PAD, D), jnp.float32),
            [pltpu.SemaphoreType.DMA] * NBUF,
            [pltpu.SemaphoreType.DMA] * NBUF,
        ],
    )


def _segment_sum_body(h_hbm, src_hbm, dst_hbm, out_hbm,
                      src_v, dst_v, rows_v, acc_sh, gsem, ssem):
    c = lax.axis_index("c")
    s = lax.axis_index("s")
    wid = c * NS + s

    pltpu.sync_copy(src_hbm.at[wid, pl.ds(0, GROUP)], src_v.at[0])
    pltpu.sync_copy(dst_hbm.at[wid, pl.ds(0, GROUP)], dst_v.at[0])
    pltpu.async_copy(h_hbm.at[src_v.at[0, 1]], rows_v.at[1], gsem[1])

    zero16 = jnp.zeros((16,), jnp.float32)

    def _z(i, _):
        rows_v[0, i // (D // 16), pl.ds((i % (D // 16)) * 16, 16)] = zero16
        return 0

    lax.fori_loop(0, CHUNK * (D // 16), _z, 0)

    row0 = s * ROWS_PER_TILE

    def _zc(j, _):
        pltpu.sync_copy(rows_v.at[0],
                        acc_sh.at[pl.ds(row0 + j * CHUNK, CHUNK)])
        return 0

    lax.fori_loop(0, ROW_STEPS, _zc, 0)
    plsc.subcore_barrier()
    pltpu.async_copy(h_hbm.at[src_v.at[0, 0]], rows_v.at[0], gsem[0])

    def _outer(g, _):
        p = g % 2
        q = (g + 1) % 2

        @pl.when(g + 1 < NGROUPS)
        def _():
            pltpu.sync_copy(src_hbm.at[wid, pl.ds((g + 1) * GROUP, GROUP)],
                            src_v.at[q])
            pltpu.sync_copy(dst_hbm.at[wid, pl.ds((g + 1) * GROUP, GROUP)],
                            dst_v.at[q])

        for b in range(GROUP):
            r = b % NBUF
            pltpu.make_async_copy(
                h_hbm.at[src_v.at[p, b]], rows_v.at[r], gsem[r]).wait()
            pltpu.async_copy(
                rows_v.at[r], acc_sh.at[dst_v.at[p, b]], ssem[r], add=True)
            pltpu.make_async_copy(
                rows_v.at[r], acc_sh.at[dst_v.at[p, b]], ssem[r]).wait()
            if b + NBUF < GROUP:
                pltpu.async_copy(
                    h_hbm.at[src_v.at[p, b + NBUF]], rows_v.at[r], gsem[r])
            else:
                @pl.when(g + 1 < NGROUPS)
                def _():
                    pltpu.async_copy(
                        h_hbm.at[src_v.at[q, b + NBUF - GROUP]],
                        rows_v.at[r], gsem[r])
        return 0

    lax.fori_loop(0, NGROUPS, _outer, 0)
    plsc.subcore_barrier()

    for j in range(ROW_STEPS):
        r = j % NBUF
        rr = row0 + j * CHUNK
        if j >= NBUF:
            pltpu.make_async_copy(
                rows_v.at[r], out_hbm.at[c, pl.ds(row0, CHUNK)],
                ssem[r]).wait()
        pltpu.sync_copy(acc_sh.at[pl.ds(rr, CHUNK)], rows_v.at[r])
        pltpu.async_copy(rows_v.at[r], out_hbm.at[c, pl.ds(rr, CHUNK)],
                         ssem[r])
    for r in range(min(NBUF, ROW_STEPS)):
        pltpu.make_async_copy(
            rows_v.at[r], out_hbm.at[c, pl.ds(row0, CHUNK)], ssem[r]).wait()


def _self_body(x_ref, wa_ref, b_ref, o_ref):
    o_ref[...] = jnp.dot(x_ref[...], wa_ref[...],
                         preferred_element_type=jnp.float32) + b_ref[...]


def _self_transform(x, wa, b):
    return pl.pallas_call(
        _self_body,
        grid=(GRID,),
        in_specs=[
            pl.BlockSpec((ROW_BLK, D), lambda i: (i, 0)),
            pl.BlockSpec((D, D), lambda i: (0, 0)),
            pl.BlockSpec((1, D), lambda i: (0, 0)),
        ],
        out_specs=pl.BlockSpec((ROW_BLK, D), lambda i: (i, 0)),
        out_shape=jax.ShapeDtypeStruct((N, D), jnp.float32),
    )(x, wa, b)


def _next_body(t_ref, p0_ref, p1_ref, wb_ref, o_ref):
    pooled = p0_ref[0] + p1_ref[0]
    acc = t_ref[...] + jnp.dot(pooled, wb_ref[...],
                               preferred_element_type=jnp.float32)
    o_ref[...] = jnp.maximum(acc, 0.0)


def _next_state(t, partials, wb):
    return pl.pallas_call(
        _next_body,
        grid=(GRID,),
        in_specs=[
            pl.BlockSpec((ROW_BLK, D), lambda i: (i, 0)),
            pl.BlockSpec((1, ROW_BLK, D), lambda i: (0, i, 0)),
            pl.BlockSpec((1, ROW_BLK, D), lambda i: (1, i, 0)),
            pl.BlockSpec((D, D), lambda i: (0, 0)),
        ],
        out_specs=pl.BlockSpec((ROW_BLK, D), lambda i: (i, 0)),
        out_shape=jax.ShapeDtypeStruct((N, D), jnp.float32),
    )(t, partials, partials, wb)


def kernel(x, edge_index, W_msg, b_msg, W_next, b_next):
    src = edge_index[0].astype(jnp.int32)
    dst = edge_index[1].astype(jnp.int32)
    pad = E_PAD - E
    pad_ar = jnp.arange(pad, dtype=jnp.int32)
    idx_shape = (NW, NCHUNKS, CHUNK)
    src_p = jnp.concatenate([src, pad_ar % N]).reshape(idx_shape)
    dst_p = jnp.concatenate([dst, N + pad_ar % (N_PAD - N)])
    dst_p = dst_p.reshape(idx_shape)

    h = _msg_transform(x, W_msg, b_msg.reshape(1, D))
    t = _self_transform(x, W_next[:D], b_next.reshape(1, D))
    partials = _make_segment_sum_sc()(h, src_p, dst_p)
    return _next_state(t, partials, W_next[D:])

# --- scband reference (transcript-rebuilt; emitter-appended) ---
"""Pipeline reference for scband-node-set-update-36996848288220 (READ-ONLY COPY).

The authoritative reference and input builder live on the scoring server;
editing this copy changes nothing except your own understanding.
"""

import jax, jax.numpy as jnp
import numpy as np

N = 10000
E = 320000
D = 128

def setup_inputs(seed: int = 0) -> dict:
    key = jax.random.key(seed)
    k1, k2, k3, k4 = jax.random.split(key, 4)
    x = jax.random.normal(k1, (N, D), dtype=jnp.float32)
    edge_index = jax.random.randint(k2, (2, E), 0, N).astype(jnp.int64)
    # Per-edge-set convolution (message transform) parameters
    W_msg = jax.random.normal(k3, (D, D), dtype=jnp.float32) * (1.0 / np.sqrt(D))
    b_msg = jnp.zeros((D,), dtype=jnp.float32)
    # next_state = NextStateFromConcat(Dense(D, relu)): input is concat([node_state, pooled_edge_input])
    W_next = jax.random.normal(k4, (2 * D, D), dtype=jnp.float32) * (1.0 / np.sqrt(2 * D))
    b_next = jnp.zeros((D,), dtype=jnp.float32)
    return {"x": x, "edge_index": edge_index, "W_msg": W_msg, "b_msg": b_msg, "W_next": W_next, "b_next": b_next}

def reference(x, edge_index, W_msg, b_msg, W_next, b_next):
    # NodeSetUpdate.call:
    # 1) node_input_feature: the node hidden state itself -> x
    # 2) edge_set_inputs: a convolution over the single edge set 'edges':
    #    gather source node states along edges, transform, pool (sum) to target nodes
    src = edge_index[0]
    dst = edge_index[1]
    msg = jnp.take(x, src, axis=0)                 # gather: [E, D]
    msg = jax.nn.relu(msg @ W_msg + b_msg)          # per-edge message transform
    pooled = jax.ops.segment_sum(msg, dst, num_segments=x.shape[0])  # scatter-add pool: [N, D]
    # 3) context_input_feature=None -> empty dict (no contribution)
    # next_state: Dense(relu) over concat of (node state, pooled edge inputs)
    next_state_in = jnp.concatenate([x, pooled], axis=-1)  # [N, 2D]
    new_state = jax.nn.relu(next_state_in @ W_next + b_next)  # [N, D]
    return new_state

if __name__ == "__main__":
    import jax
    _d = setup_inputs()
    print(jax.jit(kernel)(*tuple(_d.values())))

</pallas_src>

<mosaic_0001>
#map = affine_map<(d0, d1) -> (0, 0)>
#map1 = affine_map<(d0, d1) -> (0, 0, 0)>
module attributes {stable_mosaic.version = 14 : i64} {
  func.func @_segment_sum_body(%arg0: i32, %arg1: i32, %arg2: memref<10000x128xf32, #tpu.memory_space<hbm>>, %arg3: memref<32x80x128xi32, #tpu.memory_space<hbm>>, %arg4: memref<32x80x128xi32, #tpu.memory_space<hbm>>, %arg5: memref<2x10240x128xf32, #tpu.memory_space<hbm>>, %arg6: memref<2x8x128xi32, #tpu.memory_space<vmem>>, %arg7: memref<2x8x128xi32, #tpu.memory_space<vmem>>, %arg8: memref<2x128x128xf32, #tpu.memory_space<vmem>>, %arg9: memref<10240x128xf32, #tpu.memory_space<vmem_shared>>, %arg10: memref<!tpu.dma_semaphore, #tpu.memory_space<semaphore_mem>>, %arg11: memref<!tpu.dma_semaphore, #tpu.memory_space<semaphore_mem>>, %arg12: memref<!tpu.dma_semaphore, #tpu.memory_space<semaphore_mem>>, %arg13: memref<!tpu.dma_semaphore, #tpu.memory_space<semaphore_mem>>) attributes {dimension_semantics = [#tpu.dimension_semantics<core_parallel>, #tpu.dimension_semantics<subcore_parallel>], iteration_bounds = array<i64: 2, 16>, scalar_prefetch = 0 : i64, scratch_operands = 8 : i64, tpu.core_type = #tpu.core_type<sc_vector_subcore>, window_params = [{transform_indices = #map}, {transform_indices = #map1}, {transform_indices = #map1}, {transform_indices = #map1}]} {
    %mul3A = arith.constant 16 : i32
    %mul3A_0 = arith.muli %arg0, %mul3A : i32
    %add3A = arith.addi %mul3A_0, %arg1 : i32
    %run_scoped3A = arith.constant 0 : i32
    "tpu.region"() ({
      %run_scoped3A_215 = tpu.sem_alloc : memref<!tpu.dma_semaphore, #tpu.memory_space<semaphore_mem>>
      %dma_start3A_216 = arith.constant 0 : i32
      %dma_start3A_217 = arith.constant 0 : i32
      %dma_start3A_218 = tpu.memref_slice %arg6[%run_scoped3A, %dma_start3A_216, %dma_start3A_217] : memref<2x8x128xi32, #tpu.memory_space<vmem>> -> memref<1x8x128xi32, #tpu.memory_space<vmem>>
      %dma_start3A_219 = tpu.memref_squeeze %dma_start3A_218 : memref<1x8x128xi32, #tpu.memory_space<vmem>> -> memref<8x128xi32, #tpu.memory_space<vmem>>
      %dma_start3A_220 = arith.constant 0 : i32
      %dma_start3A_221 = arith.constant 0 : i32
      %dma_start3A_222 = tpu.memref_slice %arg3[%add3A, %dma_start3A_220, %dma_start3A_221] : memref<32x80x128xi32, #tpu.memory_space<hbm>> -> memref<1x8x128xi32, #tpu.memory_space<hbm>>
      %dma_start3A_223 = tpu.memref_squeeze %dma_start3A_222 : memref<1x8x128xi32, #tpu.memory_space<hbm>> -> memref<8x128xi32, #tpu.memory_space<hbm>>
      %dma_start3A_224 = arith.constant 0 : i32
      %dma_start3A_225 = arith.constant 0 : i32
      %dma_start3A_226 = tpu.memref_slice %arg6[%run_scoped3A, %dma_start3A_224, %dma_start3A_225] : memref<2x8x128xi32, #tpu.memory_space<vmem>> -> memref<1x8x128xi32, #tpu.memory_space<vmem>>
      %dma_start3A_227 = tpu.memref_squeeze %dma_start3A_226 : memref<1x8x128xi32, #tpu.memory_space<vmem>> -> memref<8x128xi32, #tpu.memory_space<vmem>>
      %dma_start3A_228 = arith.constant 0 : i32
      %dma_start3A_229 = arith.constant 0 : i32
      %dma_start3A_230 = tpu.memref_slice %arg3[%add3A, %dma_start3A_228, %dma_start3A_229] : memref<32x80x128xi32, #tpu.memory_space<hbm>> -> memref<1x8x128xi32, #tpu.memory_space<hbm>>
      %dma_start3A_231 = tpu.memref_squeeze %dma_start3A_230 : memref<1x8x128xi32, #tpu.memory_space<hbm>> -> memref<8x128xi32, #tpu.memory_space<hbm>>
      tpu.enqueue_dma source(%dma_start3A_231 : memref<8x128xi32, #tpu.memory_space<hbm>>) target(%dma_start3A_227 : memref<8x128xi32, #tpu.memory_space<vmem>>) target_semaphore(%run_scoped3A_215 : memref<!tpu.dma_semaphore, #tpu.memory_space<semaphore_mem>>)
      %dma_wait3A_232 = arith.constant 0 : i32
      %dma_wait3A_233 = arith.constant 0 : i32
      %dma_wait3A_234 = tpu.memref_slice %arg6[%run_scoped3A, %dma_wait3A_232, %dma_wait3A_233] : memref<2x8x128xi32, #tpu.memory_space<vmem>> -> memref<1x8x128xi32, #tpu.memory_space<vmem>>
      %dma_wait3A_235 = tpu.memref_squeeze %dma_wait3A_234 : memref<1x8x128xi32, #tpu.memory_space<vmem>> -> memref<8x128xi32, #tpu.memory_space<vmem>>
      %dma_wait3A_236 = arith.constant 0 : i32
      %dma_wait3A_237 = arith.constant 0 : i32
      %dma_wait3A_238 = tpu.memref_slice %arg3[%add3A, %dma_wait3A_236, %dma_wait3A_237] : memref<32x80x128xi32, #tpu.memory_space<hbm>> -> memref<1x8x128xi32, #tpu.memory_space<hbm>>
      %dma_wait3A_239 = tpu.memref_squeeze %dma_wait3A_238 : memref<1x8x128xi32, #tpu.memory_space<hbm>> -> memref<8x128xi32, #tpu.memory_space<hbm>>
      %dma_wait3A_240 = arith.constant 0 : i32
      %dma_wait3A_241 = arith.constant 0 : i32
      %dma_wait3A_242 = tpu.memref_slice %arg6[%run_scoped3A, %dma_wait3A_240, %dma_wait3A_241] : memref<2x8x128xi32, #tpu.memory_space<vmem>> -> memref<1x8x128xi32, #tpu.memory_space<vmem>>
      %dma_wait3A_243 = tpu.memref_squeeze %dma_wait3A_242 : memref<1x8x128xi32, #tpu.memory_space<vmem>> -> memref<8x128xi32, #tpu.memory_space<vmem>>
      %dma_wait3A_244 = arith.constant 0 : i32
      %dma_wait3A_245 = arith.constant 0 : i32
      %dma_wait3A_246 = tpu.memref_slice %arg3[%add3A, %dma_wait3A_244, %dma_wait3A_245] : memref<32x80x128xi32, #tpu.memory_space<hbm>> -> memref<1x8x128xi32, #tpu.memory_space<hbm>>
      %dma_wait3A_247 = tpu.memref_squeeze %dma_wait3A_246 : memref<1x8x128xi32, #tpu.memory_space<hbm>> -> memref<8x128xi32, #tpu.memory_space<hbm>>
      tpu.wait_dma2 semaphore(%run_scoped3A_215 : memref<!tpu.dma_semaphore, #tpu.memory_space<semaphore_mem>>) src(%dma_wait3A_247 : memref<8x128xi32, #tpu.memory_space<hbm>>) dst(%dma_wait3A_243 : memref<8x128xi32, #tpu.memory_space<vmem>>)
      tpu.yield
    }) : () -> ()
    %run_scoped3A_1 = arith.constant 0 : i32
    "tpu.region"() ({
      %run_scoped3A_215 = tpu.sem_alloc : memref<!tpu.dma_semaphore, #tpu.memory_space<semaphore_mem>>
      %dma_start3A_216 = arith.constant 0 : i32
      %dma_start3A_217 = arith.constant 0 : i32
      %dma_start3A_218 = tpu.memref_slice %arg7[%run_scoped3A_1, %dma_start3A_216, %dma_start3A_217] : memref<2x8x128xi32, #tpu.memory_space<vmem>> -> memref<1x8x128xi32, #tpu.memory_space<vmem>>
      %dma_start3A_219 = tpu.memref_squeeze %dma_start3A_218 : memref<1x8x128xi32, #tpu.memory_space<vmem>> -> memref<8x128xi32, #tpu.memory_space<vmem>>
      %dma_start3A_220 = arith.constant 0 : i32
      %dma_start3A_221 = arith.constant 0 : i32
      %dma_start3A_222 = tpu.memref_slice %arg4[%add3A, %dma_start3A_220, %dma_start3A_221] : memref<32x80x128xi32, #tpu.memory_space<hbm>> -> memref<1x8x128xi32, #tpu.memory_space<hbm>>
      %dma_start3A_223 = tpu.memref_squeeze %dma_start3A_222 : memref<1x8x128xi32, #tpu.memory_space<hbm>> -> memref<8x128xi32, #tpu.memory_space<hbm>>
      %dma_start3A_224 = arith.constant 0 : i32
      %dma_start3A_225 = arith.constant 0 : i32
      %dma_start3A_226 = tpu.memref_slice %arg7[%run_scoped3A_1, %dma_start3A_224, %dma_start3A_225] : memref<2x8x128xi32, #tpu.memory_space<vmem>> -> memref<1x8x128xi32, #tpu.memory_space<vmem>>
      %dma_start3A_227 = tpu.memref_squeeze %dma_start3A_226 : memref<1x8x128xi32, #tpu.memory_space<vmem>> -> memref<8x128xi32, #tpu.memory_space<vmem>>
      %dma_start3A_228 = arith.constant 0 : i32
      %dma_start3A_229 = arith.constant 0 : i32
      %dma_start3A_230 = tpu.memref_slice %arg4[%add3A, %dma_start3A_228, %dma_start3A_229] : memref<32x80x128xi32, #tpu.memory_space<hbm>> -> memref<1x8x128xi32, #tpu.memory_space<hbm>>
      %dma_start3A_231 = tpu.memref_squeeze %dma_start3A_230 : memref<1x8x128xi32, #tpu.memory_space<hbm>> -> memref<8x128xi32, #tpu.memory_space<hbm>>
      tpu.enqueue_dma source(%dma_start3A_231 : memref<8x128xi32, #tpu.memory_space<hbm>>) target(%dma_start3A_227 : memref<8x128xi32, #tpu.memory_space<vmem>>) target_semaphore(%run_scoped3A_215 : memref<!tpu.dma_semaphore, #tpu.memory_space<semaphore_mem>>)
      %dma_wait3A_232 = arith.constant 0 : i32
      %dma_wait3A_233 = arith.constant 0 : i32
      %dma_wait3A_234 = tpu.memref_slice %arg7[%run_scoped3A_1, %dma_wait3A_232, %dma_wait3A_233] : memref<2x8x128xi32, #tpu.memory_space<vmem>> -> memref<1x8x128xi32, #tpu.memory_space<vmem>>
      %dma_wait3A_235 = tpu.memref_squeeze %dma_wait3A_234 : memref<1x8x128xi32, #tpu.memory_space<vmem>> -> memref<8x128xi32, #tpu.memory_space<vmem>>
      %dma_wait3A_236 = arith.constant 0 : i32
      %dma_wait3A_237 = arith.constant 0 : i32
      %dma_wait3A_238 = tpu.memref_slice %arg4[%add3A, %dma_wait3A_236, %dma_wait3A_237] : memref<32x80x128xi32, #tpu.memory_space<hbm>> -> memref<1x8x128xi32, #tpu.memory_space<hbm>>
      %dma_wait3A_239 = tpu.memref_squeeze %dma_wait3A_238 : memref<1x8x128xi32, #tpu.memory_space<hbm>> -> memref<8x128xi32, #tpu.memory_space<hbm>>
      %dma_wait3A_240 = arith.constant 0 : i32
      %dma_wait3A_241 = arith.constant 0 : i32
      %dma_wait3A_242 = tpu.memref_slice %arg7[%run_scoped3A_1, %dma_wait3A_240, %dma_wait3A_241] : memref<2x8x128xi32, #tpu.memory_space<vmem>> -> memref<1x8x128xi32, #tpu.memory_space<vmem>>
      %dma_wait3A_243 = tpu.memref_squeeze %dma_wait3A_242 : memref<1x8x128xi32, #tpu.memory_space<vmem>> -> memref<8x128xi32, #tpu.memory_space<vmem>>
      %dma_wait3A_244 = arith.constant 0 : i32
      %dma_wait3A_245 = arith.constant 0 : i32
      %dma_wait3A_246 = tpu.memref_slice %arg4[%add3A, %dma_wait3A_244, %dma_wait3A_245] : memref<32x80x128xi32, #tpu.memory_space<hbm>> -> memref<1x8x128xi32, #tpu.memory_space<hbm>>
      %dma_wait3A_247 = tpu.memref_squeeze %dma_wait3A_246 : memref<1x8x128xi32, #tpu.memory_space<hbm>> -> memref<8x128xi32, #tpu.memory_space<hbm>>
      tpu.wait_dma2 semaphore(%run_scoped3A_215 : memref<!tpu.dma_semaphore, #tpu.memory_space<semaphore_mem>>) src(%dma_wait3A_247 : memref<8x128xi32, #tpu.memory_space<hbm>>) dst(%dma_wait3A_243 : memref<8x128xi32, #tpu.memory_space<vmem>>)
      tpu.yield
    }) : () -> ()
    %dma_start3A = arith.constant 0 : i32
    %dma_start3A_2 = arith.constant 1 : i32
    %dma_start3A_3 = arith.constant 1 : i32
    %dma_start3A_4 = arith.constant 0 : i32
    %dma_start3A_5 = arith.constant 0 : i32
    %dma_start3A_6 = tpu.memref_slice %arg8[%dma_start3A_3, %dma_start3A_4, %dma_start3A_5] : memref<2x128x128xf32, #tpu.memory_space<vmem>> -> memref<1x128x128xf32, #tpu.memory_space<vmem>>
    %dma_start3A_7 = tpu.memref_squeeze %dma_start3A_6 : memref<1x128x128xf32, #tpu.memory_space<vmem>> -> memref<128x128xf32, #tpu.memory_space<vmem>>
    %dma_start3A_8 = arith.constant 0 : i32
    %dma_start3A_9 = tpu.memref_slice %arg6[%dma_start3A, %dma_start3A_2, %dma_start3A_8] : memref<2x8x128xi32, #tpu.memory_space<vmem>> -> memref<1x1x128xi32, #tpu.memory_space<vmem>>
    %dma_start3A_10 = tpu.memref_squeeze %dma_start3A_9 : memref<1x1x128xi32, #tpu.memory_space<vmem>> -> memref<128xi32, #tpu.memory_space<vmem>>
    %dma_start3A_11 = arith.constant 0 : i32
    %dma_start3A_12 = arith.constant 0 : i32
    %dma_start3A_13 = tpu.memref_slice %arg2[%dma_start3A_11, %dma_start3A_12] : memref<10000x128xf32, #tpu.memory_space<hbm>> -> memref<10000x128xf32, #tpu.memory_space<hbm>>
    tpu.enqueue_indirect_dma source(%dma_start3A_13 : memref<10000x128xf32, #tpu.memory_space<hbm>>) target(%dma_start3A_7 : memref<128x128xf32, #tpu.memory_space<vmem>>) offsets(%dma_start3A_10 : memref<128xi32, #tpu.memory_space<vmem>>) semaphore(%arg11 : memref<!tpu.dma_semaphore, #tpu.memory_space<semaphore_mem>>)
    %broadcast_in_dim3A = arith.constant 0.000000e+00 : f32
    %broadcast_in_dim3A_14 = vector.broadcast %broadcast_in_dim3A : f32 to vector<16xf32>
    %scan3A = arith.constant 0 : i32
    %scan3A_15 = arith.constant 0 : i32
    %scan3A_16 = arith.constant 1024 : i32
    %scan3A_17 = arith.addi %scan3A_15, %scan3A_16 : i32
    %scan3A_18 = arith.constant 1 : i32
    %scan3A_19 = scf.for %scan3A_215 = %scan3A_15 to %scan3A_17 step %scan3A_18 iter_args(%scan3A_216 = %scan3A) -> (i32)  : i32 {
      %jit3A = arith.constant 8 : i32
      %div3A = arith.divsi %scan3A_215, %jit3A : i32
      %sign3A = arith.constant 0 : i32
      %sign3A_217 = arith.cmpi sgt, %scan3A_215, %sign3A : i32
      %sign3A_218 = arith.extui %sign3A_217 : i1 to i32
      %sign3A_219 = arith.constant 0 : i32
      %sign3A_220 = arith.cmpi slt, %scan3A_215, %sign3A_219 : i32
      %sign3A_221 = arith.extui %sign3A_220 : i1 to i32
      %sign3A_222 = arith.subi %sign3A_218, %sign3A_221 : i32
      %sign3A_223 = arith.constant 0 : i32
      %sign3A_224 = arith.cmpi sgt, %jit3A, %sign3A_223 : i32
      %sign3A_225 = arith.extui %sign3A_224 : i1 to i32
      %sign3A_226 = arith.constant 0 : i32
      %sign3A_227 = arith.cmpi slt, %jit3A, %sign3A_226 : i32
      %sign3A_228 = arith.extui %sign3A_227 : i1 to i32
      %sign3A_229 = arith.subi %sign3A_225, %sign3A_228 : i32
      %ne3A = arith.cmpi ne, %sign3A_222, %sign3A_229 : i32
      %rem3A = arith.remsi %scan3A_215, %jit3A : i32
      %ne3A_230 = arith.constant 0 : i32
      %ne3A_231 = arith.cmpi ne, %rem3A, %ne3A_230 : i32
      %and3A = arith.andi %ne3A, %ne3A_231 : i1
      %sub3A = arith.constant 1 : i32
      %sub3A_232 = arith.subi %div3A, %sub3A : i32
      %select_n3A = arith.select %and3A, %sub3A_232, %div3A : i32
      %jit3A_233 = arith.constant 8 : i32
      %eq3A = arith.constant 0 : i32
      %eq3A_234 = arith.cmpi eq, %jit3A_233, %eq3A : i32
      %jit3A_235 = arith.constant 1 : i32
      %select_n3A_236 = arith.select %eq3A_234, %jit3A_235, %jit3A_233 : i32
      %rem3A_237 = arith.remsi %scan3A_215, %select_n3A_236 : i32
      %ne3A_238 = arith.constant 0 : i32
      %ne3A_239 = arith.cmpi ne, %rem3A_237, %ne3A_238 : i32
      %lt3A = arith.constant 0 : i32
      %lt3A_240 = arith.cmpi slt, %rem3A_237, %lt3A : i32
      %lt3A_241 = arith.constant 0 : i32
      %lt3A_242 = arith.cmpi slt, %select_n3A_236, %lt3A_241 : i32
      %ne3A_243 = arith.xori %lt3A_240, %lt3A_242 : i1
      %and3A_244 = arith.andi %ne3A_243, %ne3A_239 : i1
      %add3A_245 = arith.addi %rem3A_237, %select_n3A_236 : i32
      %select_n3A_246 = arith.select %and3A_244, %add3A_245, %rem3A_237 : i32
      %mul3A_247 = arith.constant 16 : i32
      %mul3A_248 = arith.muli %select_n3A_246, %mul3A_247 : i32
      %swap3A = arith.constant 0 : i32
      %swap3A_249 = arith.index_cast %swap3A : i32 to index
      %swap3A_250 = arith.index_cast %select_n3A : i32 to index
      %swap3A_251 = arith.index_cast %mul3A_248 : i32 to index
      %swap3A_252 = tpu.vector_load %arg8[%swap3A_249, %swap3A_250, %swap3A_251] {strides = array<i32>} : memref<2x128x128xf32, #tpu.memory_space<vmem>>, vector<1x1x16xf32>,
      %swap3A_253 = vector.shape_cast %swap3A_252 : vector<1x1x16xf32> to vector<16xf32>
      %swap3A_254 = vector.shape_cast %broadcast_in_dim3A_14 : vector<16xf32> to vector<1x1x16xf32>
      tpu.vector_store %arg8[%swap3A_249, %swap3A_250, %swap3A_251], %swap3A_254 {strides = array<i32>} : memref<2x128x128xf32, #tpu.memory_space<vmem>>, vector<1x1x16xf32>,
      %scan3A_255 = arith.constant 0 : i32
      scf.yield %scan3A_255 : i32
    }
    %scan3A_20 = arith.constant 1024 : i32
    %mul3A_21 = arith.constant 640 : i32
    %mul3A_22 = arith.muli %arg1, %mul3A_21 : i32
    %scan3A_23 = arith.constant 0 : i32
    %scan3A_24 = arith.constant 0 : i32
    %scan3A_25 = arith.constant 5 : i32
    %scan3A_26 = arith.addi %scan3A_24, %scan3A_25 : i32
    %scan3A_27 = arith.constant 1 : i32
    %scan3A_28 = scf.for %scan3A_215 = %scan3A_24 to %scan3A_26 step %scan3A_27 iter_args(%scan3A_216 = %scan3A_23) -> (i32)  : i32 {
      %mul3A_217 = arith.constant 128 : i32
      %mul3A_218 = arith.muli %scan3A_215, %mul3A_217 : i32
      %add3A_219 = arith.addi %mul3A_22, %mul3A_218 : i32
      %run_scoped3A_220 = arith.constant 0 : i32
      "tpu.region"() ({
        %run_scoped3A_222 = tpu.sem_alloc : memref<!tpu.dma_semaphore, #tpu.memory_space<semaphore_mem>>
        %dma_start3A_223 = arith.constant 0 : i32
        %dma_start3A_224 = arith.constant 0 : i32
        %dma_start3A_225 = tpu.memref_slice %arg8[%run_scoped3A_220, %dma_start3A_223, %dma_start3A_224] : memref<2x128x128xf32, #tpu.memory_space<vmem>> -> memref<1x128x128xf32, #tpu.memory_space<vmem>>
        %dma_start3A_226 = tpu.memref_squeeze %dma_start3A_225 : memref<1x128x128xf32, #tpu.memory_space<vmem>> -> memref<128x128xf32, #tpu.memory_space<vmem>>
        %dma_start3A_227 = arith.constant 0 : i32
        %dma_start3A_228 = tpu.memref_slice %arg9[%add3A_219, %dma_start3A_227] : memref<10240x128xf32, #tpu.memory_space<vmem_shared>> -> memref<128x128xf32, #tpu.memory_space<vmem_shared>>
        %dma_start3A_229 = arith.constant 0 : i32
        %dma_start3A_230 = tpu.memref_slice %arg9[%add3A_219, %dma_start3A_229] : memref<10240x128xf32, #tpu.memory_space<vmem_shared>> -> memref<128x128xf32, #tpu.memory_space<vmem_shared>>
        %dma_start3A_231 = arith.constant 0 : i32
        %dma_start3A_232 = arith.constant 0 : i32
        %dma_start3A_233 = tpu.memref_slice %arg8[%run_scoped3A_220, %dma_start3A_231, %dma_start3A_232] : memref<2x128x128xf32, #tpu.memory_space<vmem>> -> memref<1x128x128xf32, #tpu.memory_space<vmem>>
        %dma_start3A_234 = tpu.memref_squeeze %dma_start3A_233 : memref<1x128x128xf32, #tpu.memory_space<vmem>> -> memref<128x128xf32, #tpu.memory_space<vmem>>
        tpu.enqueue_dma source(%dma_start3A_234 : memref<128x128xf32, #tpu.memory_space<vmem>>) target(%dma_start3A_230 : memref<128x128xf32, #tpu.memory_space<vmem_shared>>) target_semaphore(%run_scoped3A_222 : memref<!tpu.dma_semaphore, #tpu.memory_space<semaphore_mem>>)
        %dma_wait3A_235 = arith.constant 0 : i32
        %dma_wait3A_236 = arith.constant 0 : i32
        %dma_wait3A_237 = tpu.memref_slice %arg8[%run_scoped3A_220, %dma_wait3A_235, %dma_wait3A_236] : memref<2x128x128xf32, #tpu.memory_space<vmem>> -> memref<1x128x128xf32, #tpu.memory_space<vmem>>
        %dma_wait3A_238 = tpu.memref_squeeze %dma_wait3A_237 : memref<1x128x128xf32, #tpu.memory_space<vmem>> -> memref<128x128xf32, #tpu.memory_space<vmem>>
        %dma_wait3A_239 = arith.constant 0 : i32
        %dma_wait3A_240 = tpu.memref_slice %arg9[%add3A_219, %dma_wait3A_239] : memref<10240x128xf32, #tpu.memory_space<vmem_shared>> -> memref<128x128xf32, #tpu.memory_space<vmem_shared>>
        %dma_wait3A_241 = arith.constant 0 : i32
        %dma_wait3A_242 = tpu.memref_slice %arg9[%add3A_219, %dma_wait3A_241] : memref<10240x128xf32, #tpu.memory_space<vmem_shared>> -> memref<128x128xf32, #tpu.memory_space<vmem_shared>>
        %dma_wait3A_243 = arith.constant 0 : i32
        %dma_wait3A_244 = arith.constant 0 : i32
        %dma_wait3A_245 = tpu.memref_slice %arg8[%run_scoped3A_220, %dma_wait3A_243, %dma_wait3A_244] : memref<2x128x128xf32, #tpu.memory_space<vmem>> -> memref<1x128x128xf32, #tpu.memory_space<vmem>>
        %dma_wait3A_246 = tpu.memref_squeeze %dma_wait3A_245 : memref<1x128x128xf32, #tpu.memory_space<vmem>> -> memref<128x128xf32, #tpu.memory_space<vmem>>
        tpu.wait_dma2 semaphore(%run_scoped3A_222 : memref<!tpu.dma_semaphore, #tpu.memory_space<semaphore_mem>>) src(%dma_wait3A_246 : memref<128x128xf32, #tpu.memory_space<vmem>>) dst(%dma_wait3A_242 : memref<128x128xf32, #tpu.memory_space<vmem_shared>>)
        tpu.yield
      }) : () -> ()
      %scan3A_221 = arith.constant 0 : i32
      scf.yield %scan3A_221 : i32
    }
    %scan3A_29 = arith.constant 5 : i32
    %barrier3A = arith.constant 0 : index
    tpu.barrier barrier_id(%barrier3A)
    %dma_start3A_30 = arith.constant 0 : i32
    %dma_start3A_31 = arith.constant 0 : i32
    %dma_start3A_32 = arith.constant 0 : i32
    %dma_start3A_33 = arith.constant 0 : i32
    %dma_start3A_34 = arith.constant 0 : i32
    %dma_start3A_35 = tpu.memref_slice %arg8[%dma_start3A_32, %dma_start3A_33, %dma_start3A_34] : memref<2x128x128xf32, #tpu.memory_space<vmem>> -> memref<1x128x128xf32, #tpu.memory_space<vmem>>
    %dma_start3A_36 = tpu.memref_squeeze %dma_start3A_35 : memref<1x128x128xf32, #tpu.memory_space<vmem>> -> memref<128x128xf32, #tpu.memory_space<vmem>>
    %dma_start3A_37 = arith.constant 0 : i32
    %dma_start3A_38 = tpu.memref_slice %arg6[%dma_start3A_30, %dma_start3A_31, %dma_start3A_37] : memref<2x8x128xi32, #tpu.memory_space<vmem>> -> memref<1x1x128xi32, #tpu.memory_space<vmem>>
    %dma_start3A_39 = tpu.memref_squeeze %dma_start3A_38 : memref<1x1x128xi32, #tpu.memory_space<vmem>> -> memref<128xi32, #tpu.memory_space<vmem>>
    %dma_start3A_40 = arith.constant 0 : i32
    %dma_start3A_41 = arith.constant 0 : i32
    %dma_start3A_42 = tpu.memref_slice %arg2[%dma_start3A_40, %dma_start3A_41] : memref<10000x128xf32, #tpu.memory_space<hbm>> -> memref<10000x128xf32, #tpu.memory_space<hbm>>
    tpu.enqueue_indirect_dma source(%dma_start3A_42 : memref<10000x128xf32, #tpu.memory_space<hbm>>) target(%dma_start3A_36 : memref<128x128xf32, #tpu.memory_space<vmem>>) offsets(%dma_start3A_39 : memref<128xi32, #tpu.memory_space<vmem>>) semaphore(%arg10 : memref<!tpu.dma_semaphore, #tpu.memory_space<semaphore_mem>>)
    %scan3A_43 = arith.constant 0 : i32
    %scan3A_44 = arith.constant 0 : i32
    %scan3A_45 = arith.constant 10 : i32
    %scan3A_46 = arith.addi %scan3A_44, %scan3A_45 : i32
    %scan3A_47 = arith.constant 1 : i32
    %scan3A_48 = scf.for %scan3A_215 = %scan3A_44 to %scan3A_46 step %scan3A_47 iter_args(%scan3A_216 = %scan3A_43) -> (i32)  : i32 {
      %jit3A = arith.constant 2 : i32
      %eq3A = arith.constant 0 : i32
      %eq3A_217 = arith.cmpi eq, %jit3A, %eq3A : i32
      %jit3A_218 = arith.constant 1 : i32
      %select_n3A = arith.select %eq3A_217, %jit3A_218, %jit3A : i32
      %rem3A = arith.remsi %scan3A_215, %select_n3A : i32
      %ne3A = arith.constant 0 : i32
      %ne3A_219 = arith.cmpi ne, %rem3A, %ne3A : i32
      %lt3A = arith.constant 0 : i32
      %lt3A_220 = arith.cmpi slt, %rem3A, %lt3A : i32
      %lt3A_221 = arith.constant 0 : i32
      %lt3A_222 = arith.cmpi slt, %select_n3A, %lt3A_221 : i32
      %ne3A_223 = arith.xori %lt3A_220, %lt3A_222 : i1
      %and3A = arith.andi %ne3A_223, %ne3A_219 : i1
      %add3A_224 = arith.addi %rem3A, %select_n3A : i32
      %select_n3A_225 = arith.select %and3A, %add3A_224, %rem3A : i32
      %add3A_226 = arith.constant 1 : i32
      %add3A_227 = arith.addi %scan3A_215, %add3A_226 : i32
      %jit3A_228 = arith.constant 2 : i32
      %eq3A_229 = arith.constant 0 : i32
      %eq3A_230 = arith.cmpi eq, %jit3A_228, %eq3A_229 : i32
      %jit3A_231 = arith.constant 1 : i32
      %select_n3A_232 = arith.select %eq3A_230, %jit3A_231, %jit3A_228 : i32
      %rem3A_233 = arith.remsi %add3A_227, %select_n3A_232 : i32
      %ne3A_234 = arith.constant 0 : i32
      %ne3A_235 = arith.cmpi ne, %rem3A_233, %ne3A_234 : i32
      %lt3A_236 = arith.constant 0 : i32
      %lt3A_237 = arith.cmpi slt, %rem3A_233, %lt3A_236 : i32
      %lt3A_238 = arith.constant 0 : i32
      %lt3A_239 = arith.cmpi slt, %select_n3A_232, %lt3A_238 : i32
      %ne3A_240 = arith.xori %lt3A_237, %lt3A_239 : i1
      %and3A_241 = arith.andi %ne3A_240, %ne3A_235 : i1
      %add3A_242 = arith.addi %rem3A_233, %select_n3A_232 : i32
      %select_n3A_243 = arith.select %and3A_241, %add3A_242, %rem3A_233 : i32
      %add3A_244 = arith.constant 1 : i32
      %add3A_245 = arith.addi %scan3A_215, %add3A_244 : i32
      %lt3A_246 = arith.constant 10 : i32
      %lt3A_247 = arith.cmpi slt, %add3A_245, %lt3A_246 : i32
      %convert_element_type3A = arith.extui %lt3A_247 : i1 to i32
      %cond3A = arith.constant 0 : i32
      %cond3A_248 = arith.cmpi ne, %convert_element_type3A, %cond3A : i32
      scf.if %cond3A_248 {
        %add3A_624 = arith.constant 1 : i32
        %add3A_625 = arith.addi %scan3A_215, %add3A_624 : i32
        %mul3A_626 = arith.constant 8 : i32
        %mul3A_627 = arith.muli %add3A_625, %mul3A_626 : i32
        "tpu.region"() ({
          %run_scoped3A_632 = tpu.sem_alloc : memref<!tpu.dma_semaphore, #tpu.memory_space<semaphore_mem>>
          %dma_start3A_633 = arith.constant 0 : i32
          %dma_start3A_634 = arith.constant 0 : i32
          %dma_start3A_635 = tpu.memref_slice %arg6[%select_n3A_243, %dma_start3A_633, %dma_start3A_634] : memref<2x8x128xi32, #tpu.memory_space<vmem>> -> memref<1x8x128xi32, #tpu.memory_space<vmem>>
          %dma_start3A_636 = tpu.memref_squeeze %dma_start3A_635 : memref<1x8x128xi32, #tpu.memory_space<vmem>> -> memref<8x128xi32, #tpu.memory_space<vmem>>
          %dma_start3A_637 = arith.constant 0 : i32
          %dma_start3A_638 = tpu.memref_slice %arg3[%add3A, %mul3A_627, %dma_start3A_637] : memref<32x80x128xi32, #tpu.memory_space<hbm>> -> memref<1x8x128xi32, #tpu.memory_space<hbm>>
          %dma_start3A_639 = tpu.memref_squeeze %dma_start3A_638 : memref<1x8x128xi32, #tpu.memory_space<hbm>> -> memref<8x128xi32, #tpu.memory_space<hbm>>
          %dma_start3A_640 = arith.constant 0 : i32
          %dma_start3A_641 = arith.constant 0 : i32
          %dma_start3A_642 = tpu.memref_slice %arg6[%select_n3A_243, %dma_start3A_640, %dma_start3A_641] : memref<2x8x128xi32, #tpu.memory_space<vmem>> -> memref<1x8x128xi32, #tpu.memory_space<vmem>>
          %dma_start3A_643 = tpu.memref_squeeze %dma_start3A_642 : memref<1x8x128xi32, #tpu.memory_space<vmem>> -> memref<8x128xi32, #tpu.memory_space<vmem>>
          %dma_start3A_644 = arith.constant 0 : i32
          %dma_start3A_645 = tpu.memref_slice %arg3[%add3A, %mul3A_627, %dma_start3A_644] : memref<32x80x128xi32, #tpu.memory_space<hbm>> -> memref<1x8x128xi32, #tpu.memory_space<hbm>>
          %dma_start3A_646 = tpu.memref_squeeze %dma_start3A_645 : memref<1x8x128xi32, #tpu.memory_space<hbm>> -> memref<8x128xi32, #tpu.memory_space<hbm>>
          tpu.enqueue_dma source(%dma_start3A_646 : memref<8x128xi32, #tpu.memory_space<hbm>>) target(%dma_start3A_643 : memref<8x128xi32, #tpu.memory_space<vmem>>) target_semaphore(%run_scoped3A_632 : memref<!tpu.dma_semaphore, #tpu.memory_space<semaphore_mem>>)
          %dma_wait3A_647 = arith.constant 0 : i32
          %dma_wait3A_648 = arith.constant 0 : i32
          %dma_wait3A_649 = tpu.memref_slice %arg6[%select_n3A_243, %dma_wait3A_647, %dma_wait3A_648] : memref<2x8x128xi32, #tpu.memory_space<vmem>> -> memref<1x8x128xi32, #tpu.memory_space<vmem>>
          %dma_wait3A_650 = tpu.memref_squeeze %dma_wait3A_649 : memref<1x8x128xi32, #tpu.memory_space<vmem>> -> memref<8x128xi32, #tpu.memory_space<vmem>>
          %dma_wait3A_651 = arith.constant 0 : i32
          %dma_wait3A_652 = tpu.memref_slice %arg3[%add3A, %mul3A_627, %dma_wait3A_651] : memref<32x80x128xi32, #tpu.memory_space<hbm>> -> memref<1x8x128xi32, #tpu.memory_space<hbm>>
          %dma_wait3A_653 = tpu.memref_squeeze %dma_wait3A_652 : memref<1x8x128xi32, #tpu.memory_space<hbm>> -> memref<8x128xi32, #tpu.memory_space<hbm>>
          %dma_wait3A_654 = arith.constant 0 : i32
          %dma_wait3A_655 = arith.constant 0 : i32
          %dma_wait3A_656 = tpu.memref_slice %arg6[%select_n3A_243, %dma_wait3A_654, %dma_wait3A_655] : memref<2x8x128xi32, #tpu.memory_space<vmem>> -> memref<1x8x128xi32, #tpu.memory_space<vmem>>
          %dma_wait3A_657 = tpu.memref_squeeze %dma_wait3A_656 : memref<1x8x128xi32, #tpu.memory_space<vmem>> -> memref<8x128xi32, #tpu.memory_space<vmem>>
          %dma_wait3A_658 = arith.constant 0 : i32
          %dma_wait3A_659 = tpu.memref_slice %arg3[%add3A, %mul3A_627, %dma_wait3A_658] : memref<32x80x128xi32, #tpu.memory_space<hbm>> -> memref<1x8x128xi32, #tpu.memory_space<hbm>>
          %dma_wait3A_660 = tpu.memref_squeeze %dma_wait3A_659 : memref<1x8x128xi32, #tpu.memory_space<hbm>> -> memref<8x128xi32, #tpu.memory_space<hbm>>
          tpu.wait_dma2 semaphore(%run_scoped3A_632 : memref<!tpu.dma_semaphore, #tpu.memory_space<semaphore_mem>>) src(%dma_wait3A_660 : memref<8x128xi32, #tpu.memory_space<hbm>>) dst(%dma_wait3A_657 : memref<8x128xi32, #tpu.memory_space<vmem>>)
          tpu.yield
        }) : () -> ()
        %add3A_628 = arith.constant 1 : i32
        %add3A_629 = arith.addi %scan3A_215, %add3A_628 : i32
        %mul3A_630 = arith.constant 8 : i32
        %mul3A_631 = arith.muli %add3A_629, %mul3A_630 : i32
        "tpu.region"() ({
          %run_scoped3A_632 = tpu.sem_alloc : memref<!tpu.dma_semaphore, #tpu.memory_space<semaphore_mem>>
          %dma_start3A_633 = arith.constant 0 : i32
          %dma_start3A_634 = arith.constant 0 : i32
          %dma_start3A_635 = tpu.memref_slice %arg7[%select_n3A_243, %dma_start3A_633, %dma_start3A_634] : memref<2x8x128xi32, #tpu.memory_space<vmem>> -> memref<1x8x128xi32, #tpu.memory_space<vmem>>
          %dma_start3A_636 = tpu.memref_squeeze %dma_start3A_635 : memref<1x8x128xi32, #tpu.memory_space<vmem>> -> memref<8x128xi32, #tpu.memory_space<vmem>>
          %dma_start3A_637 = arith.constant 0 : i32
          %dma_start3A_638 = tpu.memref_slice %arg4[%add3A, %mul3A_631, %dma_start3A_637] : memref<32x80x128xi32, #tpu.memory_space<hbm>> -> memref<1x8x128xi32, #tpu.memory_space<hbm>>
          %dma_start3A_639 = tpu.memref_squeeze %dma_start3A_638 : memref<1x8x128xi32, #tpu.memory_space<hbm>> -> memref<8x128xi32, #tpu.memory_space<hbm>>
          %dma_start3A_640 = arith.constant 0 : i32
          %dma_start3A_641 = arith.constant 0 : i32
          %dma_start3A_642 = tpu.memref_slice %arg7[%select_n3A_243, %dma_start3A_640, %dma_start3A_641] : memref<2x8x128xi32, #tpu.memory_space<vmem>> -> memref<1x8x128xi32, #tpu.memory_space<vmem>>
          %dma_start3A_643 = tpu.memref_squeeze %dma_start3A_642 : memref<1x8x128xi32, #tpu.memory_space<vmem>> -> memref<8x128xi32, #tpu.memory_space<vmem>>
          %dma_start3A_644 = arith.constant 0 : i32
          %dma_start3A_645 = tpu.memref_slice %arg4[%add3A, %mul3A_631, %dma_start3A_644] : memref<32x80x128xi32, #tpu.memory_space<hbm>> -> memref<1x8x128xi32, #tpu.memory_space<hbm>>
          %dma_start3A_646 = tpu.memref_squeeze %dma_start3A_645 : memref<1x8x128xi32, #tpu.memory_space<hbm>> -> memref<8x128xi32, #tpu.memory_space<hbm>>
          tpu.enqueue_dma source(%dma_start3A_646 : memref<8x128xi32, #tpu.memory_space<hbm>>) target(%dma_start3A_643 : memref<8x128xi32, #tpu.memory_space<vmem>>) target_semaphore(%run_scoped3A_632 : memref<!tpu.dma_semaphore, #tpu.memory_space<semaphore_mem>>)
          %dma_wait3A_647 = arith.constant 0 : i32
          %dma_wait3A_648 = arith.constant 0 : i32
          %dma_wait3A_649 = tpu.memref_slice %arg7[%select_n3A_243, %dma_wait3A_647, %dma_wait3A_648] : memref<2x8x128xi32, #tpu.memory_space<vmem>> -> memref<1x8x128xi32, #tpu.memory_space<vmem>>
          %dma_wait3A_650 = tpu.memref_squeeze %dma_wait3A_649 : memref<1x8x128xi32, #tpu.memory_space<vmem>> -> memref<8x128xi32, #tpu.memory_space<vmem>>
          %dma_wait3A_651 = arith.constant 0 : i32
          %dma_wait3A_652 = tpu.memref_slice %arg4[%add3A, %mul3A_631, %dma_wait3A_651] : memref<32x80x128xi32, #tpu.memory_space<hbm>> -> memref<1x8x128xi32, #tpu.memory_space<hbm>>
          %dma_wait3A_653 = tpu.memref_squeeze %dma_wait3A_652 : memref<1x8x128xi32, #tpu.memory_space<hbm>> -> memref<8x128xi32, #tpu.memory_space<hbm>>
          %dma_wait3A_654 = arith.constant 0 : i32
          %dma_wait3A_655 = arith.constant 0 : i32
          %dma_wait3A_656 = tpu.memref_slice %arg7[%select_n3A_243, %dma_wait3A_654, %dma_wait3A_655] : memref<2x8x128xi32, #tpu.memory_space<vmem>> -> memref<1x8x128xi32, #tpu.memory_space<vmem>>
          %dma_wait3A_657 = tpu.memref_squeeze %dma_wait3A_656 : memref<1x8x128xi32, #tpu.memory_space<vmem>> -> memref<8x128xi32, #tpu.memory_space<vmem>>
          %dma_wait3A_658 = arith.constant 0 : i32
          %dma_wait3A_659 = tpu.memref_slice %arg4[%add3A, %mul3A_631, %dma_wait3A_658] : memref<32x80x128xi32, #tpu.memory_space<hbm>> -> memref<1x8x128xi32, #tpu.memory_space<hbm>>
          %dma_wait3A_660 = tpu.memref_squeeze %dma_wait3A_659 : memref<1x8x128xi32, #tpu.memory_space<hbm>> -> memref<8x128xi32, #tpu.memory_space<hbm>>
          tpu.wait_dma2 semaphore(%run_scoped3A_632 : memref<!tpu.dma_semaphore, #tpu.memory_space<semaphore_mem>>) src(%dma_wait3A_660 : memref<8x128xi32, #tpu.memory_space<hbm>>) dst(%dma_wait3A_657 : memref<8x128xi32, #tpu.memory_space<vmem>>)
          tpu.yield
        }) : () -> ()
      } else {
      }
      %dma_wait3A_249 = arith.constant 0 : i32
      %dma_wait3A_250 = arith.constant 0 : i32
      %dma_wait3A_251 = arith.constant 0 : i32
      %dma_wait3A_252 = arith.constant 0 : i32
      %dma_wait3A_253 = tpu.memref_slice %arg8[%dma_wait3A_250, %dma_wait3A_251, %dma_wait3A_252] : memref<2x128x128xf32, #tpu.memory_space<vmem>> -> memref<1x128x128xf32, #tpu.memory_space<vmem>>
      %dma_wait3A_254 = tpu.memref_squeeze %dma_wait3A_253 : memref<1x128x128xf32, #tpu.memory_space<vmem>> -> memref<128x128xf32, #tpu.memory_space<vmem>>
      %dma_wait3A_255 = arith.constant 0 : i32
      %dma_wait3A_256 = tpu.memref_slice %arg6[%select_n3A_225, %dma_wait3A_249, %dma_wait3A_255] : memref<2x8x128xi32, #tpu.memory_space<vmem>> -> memref<1x1x128xi32, #tpu.memory_space<vmem>>
      %dma_wait3A_257 = tpu.memref_squeeze %dma_wait3A_256 : memref<1x1x128xi32, #tpu.memory_space<vmem>> -> memref<128xi32, #tpu.memory_space<vmem>>
      %dma_wait3A_258 = arith.constant 0 : i32
      %dma_wait3A_259 = arith.constant 0 : i32
      %dma_wait3A_260 = tpu.memref_slice %arg2[%dma_wait3A_258, %dma_wait3A_259] : memref<10000x128xf32, #tpu.memory_space<hbm>> -> memref<10000x128xf32, #tpu.memory_space<hbm>>
      tpu.wait_indirect_dma semaphore(%arg10 : memref<!tpu.dma_semaphore, #tpu.memory_space<semaphore_mem>>) src(%dma_wait3A_260 : memref<10000x128xf32, #tpu.memory_space<hbm>>) dst(%dma_wait3A_254 : memref<128x128xf32, #tpu.memory_space<vmem>>)
      %dma_start3A_261 = arith.constant 0 : i32
      %dma_start3A_262 = arith.constant 0 : i32
      %dma_start3A_263 = arith.constant 0 : i32
      %dma_start3A_264 = arith.constant 0 : i32
      %dma_start3A_265 = tpu.memref_slice %arg8[%dma_start3A_261, %dma_start3A_263, %dma_start3A_264] : memref<2x128x128xf32, #tpu.memory_space<vmem>> -> memref<1x128x128xf32, #tpu.memory_space<vmem>>
      %dma_start3A_266 = tpu.memref_squeeze %dma_start3A_265 : memref<1x128x128xf32, #tpu.memory_space<vmem>> -> memref<128x128xf32, #tpu.memory_space<vmem>>
      %dma_start3A_267 = arith.constant 0 : i32
      %dma_start3A_268 = tpu.memref_slice %arg7[%select_n3A_225, %dma_start3A_262, %dma_start3A_267] : memref<2x8x128xi32, #tpu.memory_space<vmem>> -> memref<1x1x128xi32, #tpu.memory_space<vmem>>
      %dma_start3A_269 = tpu.memref_squeeze %dma_start3A_268 : memref<1x1x128xi32, #tpu.memory_space<vmem>> -> memref<128xi32, #tpu.memory_space<vmem>>
      %dma_start3A_270 = arith.constant 0 : i32
      %dma_start3A_271 = arith.constant 0 : i32
      %dma_start3A_272 = tpu.memref_slice %arg9[%dma_start3A_270, %dma_start3A_271] : memref<10240x128xf32, #tpu.memory_space<vmem_shared>> -> memref<10240x128xf32, #tpu.memory_space<vmem_shared>>
      tpu.enqueue_indirect_dma source(%dma_start3A_266 : memref<128x128xf32, #tpu.memory_space<vmem>>) target(%dma_start3A_272 : memref<10240x128xf32, #tpu.memory_space<vmem_shared>>) offsets(%dma_start3A_269 : memref<128xi32, #tpu.memory_space<vmem>>) semaphore(%arg12 : memref<!tpu.dma_semaphore, #tpu.memory_space<semaphore_mem>>) {add = true}
      %dma_wait3A_273 = arith.constant 0 : i32
      %dma_wait3A_274 = arith.constant 0 : i32
      %dma_wait3A_275 = arith.constant 0 : i32
      %dma_wait3A_276 = arith.constant 0 : i32
      %dma_wait3A_277 = tpu.memref_slice %arg8[%dma_wait3A_273, %dma_wait3A_275, %dma_wait3A_276] : memref<2x128x128xf32, #tpu.memory_space<vmem>> -> memref<1x128x128xf32, #tpu.memory_space<vmem>>
      %dma_wait3A_278 = tpu.memref_squeeze %dma_wait3A_277 : memref<1x128x128xf32, #tpu.memory_space<vmem>> -> memref<128x128xf32, #tpu.memory_space<vmem>>
      %dma_wait3A_279 = arith.constant 0 : i32
      %dma_wait3A_280 = tpu.memref_slice %arg7[%select_n3A_225, %dma_wait3A_274, %dma_wait3A_279] : memref<2x8x128xi32, #tpu.memory_space<vmem>> -> memref<1x1x128xi32, #tpu.memory_space<vmem>>
      %dma_wait3A_281 = tpu.memref_squeeze %dma_wait3A_280 : memref<1x1x128xi32, #tpu.memory_space<vmem>> -> memref<128xi32, #tpu.memory_space<vmem>>
      %dma_wait3A_282 = arith.constant 0 : i32
      %dma_wait3A_283 = arith.constant 0 : i32
      %dma_wait3A_284 = tpu.memref_slice %arg9[%dma_wait3A_282, %dma_wait3A_283] : memref<10240x128xf32, #tpu.memory_space<vmem_shared>> -> memref<10240x128xf32, #tpu.memory_space<vmem_shared>>
      tpu.wait_indirect_dma semaphore(%arg12 : memref<!tpu.dma_semaphore, #tpu.memory_space<semaphore_mem>>) src(%dma_wait3A_278 : memref<128x128xf32, #tpu.memory_space<vmem>>) dst(%dma_wait3A_284 : memref<10240x128xf32, #tpu.memory_space<vmem_shared>>)
      %dma_start3A_285 = arith.constant 2 : i32
      %dma_start3A_286 = arith.constant 0 : i32
      %dma_start3A_287 = arith.constant 0 : i32
      %dma_start3A_288 = arith.constant 0 : i32
      %dma_start3A_289 = tpu.memref_slice %arg8[%dma_start3A_286, %dma_start3A_287, %dma_start3A_288] : memref<2x128x128xf32, #tpu.memory_space<vmem>> -> memref<1x128x128xf32, #tpu.memory_space<vmem>>
      %dma_start3A_290 = tpu.memref_squeeze %dma_start3A_289 : memref<1x128x128xf32, #tpu.memory_space<vmem>> -> memref<128x128xf32, #tpu.memory_space<vmem>>
      %dma_start3A_291 = arith.constant 0 : i32
      %dma_start3A_292 = tpu.memref_slice %arg6[%select_n3A_225, %dma_start3A_285, %dma_start3A_291] : memref<2x8x128xi32, #tpu.memory_space<vmem>> -> memref<1x1x128xi32, #tpu.memory_space<vmem>>
      %dma_start3A_293 = tpu.memref_squeeze %dma_start3A_292 : memref<1x1x128xi32, #tpu.memory_space<vmem>> -> memref<128xi32, #tpu.memory_space<vmem>>
      %dma_start3A_294 = arith.constant 0 : i32
      %dma_start3A_295 = arith.constant 0 : i32
      %dma_start3A_296 = tpu.memref_slice %arg2[%dma_start3A_294, %dma_start3A_295] : memref<10000x128xf32, #tpu.memory_space<hbm>> -> memref<10000x128xf32, #tpu.memory_space<hbm>>
      tpu.enqueue_indirect_dma source(%dma_start3A_296 : memref<10000x128xf32, #tpu.memory_space<hbm>>) target(%dma_start3A_290 : memref<128x128xf32, #tpu.memory_space<vmem>>) offsets(%dma_start3A_293 : memref<128xi32, #tpu.memory_space<vmem>>) semaphore(%arg10 : memref<!tpu.dma_semaphore, #tpu.memory_space<semaphore_mem>>)
      %dma_wait3A_297 = arith.constant 1 : i32
      %dma_wait3A_298 = arith.constant 1 : i32
      %dma_wait3A_299 = arith.constant 0 : i32
      %dma_wait3A_300 = arith.constant 0 : i32
      %dma_wait3A_301 = tpu.memref_slice %arg8[%dma_wait3A_298, %dma_wait3A_299, %dma_wait3A_300] : memref<2x128x128xf32, #tpu.memory_space<vmem>> -> memref<1x128x128xf32, #tpu.memory_space<vmem>>
      %dma_wait3A_302 = tpu.memref_squeeze %dma_wait3A_301 : memref<1x128x128xf32, #tpu.memory_space<vmem>> -> memref<128x128xf32, #tpu.memory_space<vmem>>
      %dma_wait3A_303 = arith.constant 0 : i32
      %dma_wait3A_304 = tpu.memref_slice %arg6[%select_n3A_225, %dma_wait3A_297, %dma_wait3A_303] : memref<2x8x128xi32, #tpu.memory_space<vmem>> -> memref<1x1x128xi32, #tpu.memory_space<vmem>>
      %dma_wait3A_305 = tpu.memref_squeeze %dma_wait3A_304 : memref<1x1x128xi32, #tpu.memory_space<vmem>> -> memref<128xi32, #tpu.memory_space<vmem>>
      %dma_wait3A_306 = arith.constant 0 : i32
      %dma_wait3A_307 = arith.constant 0 : i32
      %dma_wait3A_308 = tpu.memref_slice %arg2[%dma_wait3A_306, %dma_wait3A_307] : memref<10000x128xf32, #tpu.memory_space<hbm>> -> memref<10000x128xf32, #tpu.memory_space<hbm>>
      tpu.wait_indirect_dma semaphore(%arg11 : memref<!tpu.dma_semaphore, #tpu.memory_space<semaphore_mem>>) src(%dma_wait3A_308 : memref<10000x128xf32, #tpu.memory_space<hbm>>) dst(%dma_wait3A_302 : memref<128x128xf32, #tpu.memory_space<vmem>>)
      %dma_start3A_309 = arith.constant 1 : i32
      %dma_start3A_310 = arith.constant 1 : i32
      %dma_start3A_311 = arith.constant 0 : i32
      %dma_start3A_312 = arith.constant 0 : i32
      %dma_start3A_313 = tpu.memref_slice %arg8[%dma_start3A_309, %dma_start3A_311, %dma_start3A_312] : memref<2x128x128xf32, #tpu.memory_space<vmem>> -> memref<1x128x128xf32, #tpu.memory_space<vmem>>
      %dma_start3A_314 = tpu.memref_squeeze %dma_start3A_313 : memref<1x128x128xf32, #tpu.memory_space<vmem>> -> memref<128x128xf32, #tpu.memory_space<vmem>>
      %dma_start3A_315 = arith.constant 0 : i32
      %dma_start3A_316 = tpu.memref_slice %arg7[%select_n3A_225, %dma_start3A_310, %dma_start3A_315] : memref<2x8x128xi32, #tpu.memory_space<vmem>> -> memref<1x1x128xi32, #tpu.memory_space<vmem>>
      %dma_start3A_317 = tpu.memref_squeeze %dma_start3A_316 : memref<1x1x128xi32, #tpu.memory_space<vmem>> -> memref<128xi32, #tpu.memory_space<vmem>>
      %dma_start3A_318 = arith.constant 0 : i32
      %dma_start3A_319 = arith.constant 0 : i32
      %dma_start3A_320 = tpu.memref_slice %arg9[%dma_start3A_318, %dma_start3A_319] : memref<10240x128xf32, #tpu.memory_space<vmem_shared>> -> memref<10240x128xf32, #tpu.memory_space<vmem_shared>>
      tpu.enqueue_indirect_dma source(%dma_start3A_314 : memref<128x128xf32, #tpu.memory_space<vmem>>) target(%dma_start3A_320 : memref<10240x128xf32, #tpu.memory_space<vmem_shared>>) offsets(%dma_start3A_317 : memref<128xi32, #tpu.memory_space<vmem>>) semaphore(%arg13 : memref<!tpu.dma_semaphore, #tpu.memory_space<semaphore_mem>>) {add = true}
      %dma_wait3A_321 = arith.constant 1 : i32
      %dma_wait3A_322 = arith.constant 1 : i32
      %dma_wait3A_323 = arith.constant 0 : i32
      %dma_wait3A_324 = arith.constant 0 : i32
      %dma_wait3A_325 = tpu.memref_slice %arg8[%dma_wait3A_321, %dma_wait3A_323, %dma_wait3A_324] : memref<2x128x128xf32, #tpu.memory_space<vmem>> -> memref<1x128x128xf32, #tpu.memory_space<vmem>>
      %dma_wait3A_326 = tpu.memref_squeeze %dma_wait3A_325 : memref<1x128x128xf32, #tpu.memory_space<vmem>> -> memref<128x128xf32, #tpu.memory_space<vmem>>
      %dma_wait3A_327 = arith.constant 0 : i32
      %dma_wait3A_328 = tpu.memref_slice %arg7[%select_n3A_225, %dma_wait3A_322, %dma_wait3A_327] : memref<2x8x128xi32, #tpu.memory_space<vmem>> -> memref<1x1x128xi32, #tpu.memory_space<vmem>>
      %dma_wait3A_329 = tpu.memref_squeeze %dma_wait3A_328 : memref<1x1x128xi32, #tpu.memory_space<vmem>> -> memref<128xi32, #tpu.memory_space<vmem>>
      %dma_wait3A_330 = arith.constant 0 : i32
      %dma_wait3A_331 = arith.constant 0 : i32
      %dma_wait3A_332 = tpu.memref_slice %arg9[%dma_wait3A_330, %dma_wait3A_331] : memref<10240x128xf32, #tpu.memory_space<vmem_shared>> -> memref<10240x128xf32, #tpu.memory_space<vmem_shared>>
      tpu.wait_indirect_dma semaphore(%arg13 : memref<!tpu.dma_semaphore, #tpu.memory_space<semaphore_mem>>) src(%dma_wait3A_326 : memref<128x128xf32, #tpu.memory_space<vmem>>) dst(%dma_wait3A_332 : memref<10240x128xf32, #tpu.memory_space<vmem_shared>>)
      %dma_start3A_333 = arith.constant 3 : i32
      %dma_start3A_334 = arith.constant 1 : i32
      %dma_start3A_335 = arith.constant 0 : i32
      %dma_start3A_336 = arith.constant 0 : i32
      %dma_start3A_337 = tpu.memref_slice %arg8[%dma_start3A_334, %dma_start3A_335, %dma_start3A_336] : memref<2x128x128xf32, #tpu.memory_space<vmem>> -> memref<1x128x128xf32, #tpu.memory_space<vmem>>
      %dma_start3A_338 = tpu.memref_squeeze %dma_start3A_337 : memref<1x128x128xf32, #tpu.memory_space<vmem>> -> memref<128x128xf32, #tpu.memory_space<vmem>>
      %dma_start3A_339 = arith.constant 0 : i32
      %dma_start3A_340 = tpu.memref_slice %arg6[%select_n3A_225, %dma_start3A_333, %dma_start3A_339] : memref<2x8x128xi32, #tpu.memory_space<vmem>> -> memref<1x1x128xi32, #tpu.memory_space<vmem>>
      %dma_start3A_341 = tpu.memref_squeeze %dma_start3A_340 : memref<1x1x128xi32, #tpu.memory_space<vmem>> -> memref<128xi32, #tpu.memory_space<vmem>>
      %dma_start3A_342 = arith.constant 0 : i32
      %dma_start3A_343 = arith.constant 0 : i32
      %dma_start3A_344 = tpu.memref_slice %arg2[%dma_start3A_342, %dma_start3A_343] : memref<10000x128xf32, #tpu.memory_space<hbm>> -> memref<10000x128xf32, #tpu.memory_space<hbm>>
      tpu.enqueue_indirect_dma source(%dma_start3A_344 : memref<10000x128xf32, #tpu.memory_space<hbm>>) target(%dma_start3A_338 : memref<128x128xf32, #tpu.memory_space<vmem>>) offsets(%dma_start3A_341 : memref<128xi32, #tpu.memory_space<vmem>>) semaphore(%arg11 : memref<!tpu.dma_semaphore, #tpu.memory_space<semaphore_mem>>)
      %dma_wait3A_345 = arith.constant 2 : i32
      %dma_wait3A_346 = arith.constant 0 : i32
      %dma_wait3A_347 = arith.constant 0 : i32
      %dma_wait3A_348 = arith.constant 0 : i32
      %dma_wait3A_349 = tpu.memref_slice %arg8[%dma_wait3A_346, %dma_wait3A_347, %dma_wait3A_348] : memref<2x128x128xf32, #tpu.memory_space<vmem>> -> memref<1x128x128xf32, #tpu.memory_space<vmem>>
      %dma_wait3A_350 = tpu.memref_squeeze %dma_wait3A_349 : memref<1x128x128xf32, #tpu.memory_space<vmem>> -> memref<128x128xf32, #tpu.memory_space<vmem>>
      %dma_wait3A_351 = arith.constant 0 : i32
      %dma_wait3A_352 = tpu.memref_slice %arg6[%select_n3A_225, %dma_wait3A_345, %dma_wait3A_351] : memref<2x8x128xi32, #tpu.memory_space<vmem>> -> memref<1x1x128xi32, #tpu.memory_space<vmem>>
      %dma_wait3A_353 = tpu.memref_squeeze %dma_wait3A_352 : memref<1x1x128xi32, #tpu.memory_space<vmem>> -> memref<128xi32, #tpu.memory_space<vmem>>
      %dma_wait3A_354 = arith.constant 0 : i32
      %dma_wait3A_355 = arith.constant 0 : i32
      %dma_wait3A_356 = tpu.memref_slice %arg2[%dma_wait3A_354, %dma_wait3A_355] : memref<10000x128xf32, #tpu.memory_space<hbm>> -> memref<10000x128xf32, #tpu.memory_space<hbm>>
      tpu.wait_indirect_dma semaphore(%arg10 : memref<!tpu.dma_semaphore, #tpu.memory_space<semaphore_mem>>) src(%dma_wait3A_356 : memref<10000x128xf32, #tpu.memory_space<hbm>>) dst(%dma_wait3A_350 : memref<128x128xf32, #tpu.memory_space<vmem>>)
      %dma_start3A_357 = arith.constant 0 : i32
      %dma_start3A_358 = arith.constant 2 : i32
      %dma_start3A_359 = arith.constant 0 : i32
      %dma_start3A_360 = arith.constant 0 : i32
      %dma_start3A_361 = tpu.memref_slice %arg8[%dma_start3A_357, %dma_start3A_359, %dma_start3A_360] : memref<2x128x128xf32, #tpu.memory_space<vmem>> -> memref<1x128x128xf32, #tpu.memory_space<vmem>>
      %dma_start3A_362 = tpu.memref_squeeze %dma_start3A_361 : memref<1x128x128xf32, #tpu.memory_space<vmem>> -> memref<128x128xf32, #tpu.memory_space<vmem>>
      %dma_start3A_363 = arith.constant 0 : i32
      %dma_start3A_364 = tpu.memref_slice %arg7[%select_n3A_225, %dma_start3A_358, %dma_start3A_363] : memref<2x8x128xi32, #tpu.memory_space<vmem>> -> memref<1x1x128xi32, #tpu.memory_space<vmem>>
      %dma_start3A_365 = tpu.memref_squeeze %dma_start3A_364 : memref<1x1x128xi32, #tpu.memory_space<vmem>> -> memref<128xi32, #tpu.memory_space<vmem>>
      %dma_start3A_366 = arith.constant 0 : i32
      %dma_start3A_367 = arith.constant 0 : i32
      %dma_start3A_368 = tpu.memref_slice %arg9[%dma_start3A_366, %dma_start3A_367] : memref<10240x128xf32, #tpu.memory_space<vmem_shared>> -> memref<10240x128xf32, #tpu.memory_space<vmem_shared>>
      tpu.enqueue_indirect_dma source(%dma_start3A_362 : memref<128x128xf32, #tpu.memory_space<vmem>>) target(%dma_start3A_368 : memref<10240x128xf32, #tpu.memory_space<vmem_shared>>) offsets(%dma_start3A_365 : memref<128xi32, #tpu.memory_space<vmem>>) semaphore(%arg12 : memref<!tpu.dma_semaphore, #tpu.memory_space<semaphore_mem>>) {add = true}
      %dma_wait3A_369 = arith.constant 0 : i32
      %dma_wait3A_370 = arith.constant 2 : i32
      %dma_wait3A_371 = arith.constant 0 : i32
      %dma_wait3A_372 = arith.constant 0 : i32
      %dma_wait3A_373 = tpu.memref_slice %arg8[%dma_wait3A_369, %dma_wait3A_371, %dma_wait3A_372] : memref<2x128x128xf32, #tpu.memory_space<vmem>> -> memref<1x128x128xf32, #tpu.memory_space<vmem>>
      %dma_wait3A_374 = tpu.memref_squeeze %dma_wait3A_373 : memref<1x128x128xf32, #tpu.memory_space<vmem>> -> memref<128x128xf32, #tpu.memory_space<vmem>>
      %dma_wait3A_375 = arith.constant 0 : i32
      %dma_wait3A_376 = tpu.memref_slice %arg7[%select_n3A_225, %dma_wait3A_370, %dma_wait3A_375] : memref<2x8x128xi32, #tpu.memory_space<vmem>> -> memref<1x1x128xi32, #tpu.memory_space<vmem>>
      %dma_wait3A_377 = tpu.memref_squeeze %dma_wait3A_376 : memref<1x1x128xi32, #tpu.memory_space<vmem>> -> memref<128xi32, #tpu.memory_space<vmem>>
      %dma_wait3A_378 = arith.constant 0 : i32
      %dma_wait3A_379 = arith.constant 0 : i32
      %dma_wait3A_380 = tpu.memref_slice %arg9[%dma_wait3A_378, %dma_wait3A_379] : memref<10240x128xf32, #tpu.memory_space<vmem_shared>> -> memref<10240x128xf32, #tpu.memory_space<vmem_shared>>
      tpu.wait_indirect_dma semaphore(%arg12 : memref<!tpu.dma_semaphore, #tpu.memory_space<semaphore_mem>>) src(%dma_wait3A_374 : memref<128x128xf32, #tpu.memory_space<vmem>>) dst(%dma_wait3A_380 : memref<10240x128xf32, #tpu.memory_space<vmem_shared>>)
      %dma_start3A_381 = arith.constant 4 : i32
      %dma_start3A_382 = arith.constant 0 : i32
      %dma_start3A_383 = arith.constant 0 : i32
      %dma_start3A_384 = arith.constant 0 : i32
      %dma_start3A_385 = tpu.memref_slice %arg8[%dma_start3A_382, %dma_start3A_383, %dma_start3A_384] : memref<2x128x128xf32, #tpu.memory_space<vmem>> -> memref<1x128x128xf32, #tpu.memory_space<vmem>>
      %dma_start3A_386 = tpu.memref_squeeze %dma_start3A_385 : memref<1x128x128xf32, #tpu.memory_space<vmem>> -> memref<128x128xf32, #tpu.memory_space<vmem>>
      %dma_start3A_387 = arith.constant 0 : i32
      %dma_start3A_388 = tpu.memref_slice %arg6[%select_n3A_225, %dma_start3A_381, %dma_start3A_387] : memref<2x8x128xi32, #tpu.memory_space<vmem>> -> memref<1x1x128xi32, #tpu.memory_space<vmem>>
      %dma_start3A_389 = tpu.memref_squeeze %dma_start3A_388 : memref<1x1x128xi32, #tpu.memory_space<vmem>> -> memref<128xi32, #tpu.memory_space<vmem>>
      %dma_start3A_390 = arith.constant 0 : i32
      %dma_start3A_391 = arith.constant 0 : i32
      %dma_start3A_392 = tpu.memref_slice %arg2[%dma_start3A_390, %dma_start3A_391] : memref<10000x128xf32, #tpu.memory_space<hbm>> -> memref<10000x128xf32, #tpu.memory_space<hbm>>
      tpu.enqueue_indirect_dma source(%dma_start3A_392 : memref<10000x128xf32, #tpu.memory_space<hbm>>) target(%dma_start3A_386 : memref<128x128xf32, #tpu.memory_space<vmem>>) offsets(%dma_start3A_389 : memref<128xi32, #tpu.memory_space<vmem>>) semaphore(%arg10 : memref<!tpu.dma_semaphore, #tpu.memory_space<semaphore_mem>>)
      %dma_wait3A_393 = arith.constant 3 : i32
      %dma_wait3A_394 = arith.constant 1 : i32
      %dma_wait3A_395 = arith.constant 0 : i32
      %dma_wait3A_396 = arith.constant 0 : i32
      %dma_wait3A_397 = tpu.memref_slice %arg8[%dma_wait3A_394, %dma_wait3A_395, %dma_wait3A_396] : memref<2x128x128xf32, #tpu.memory_space<vmem>> -> memref<1x128x128xf32, #tpu.memory_space<vmem>>
      %dma_wait3A_398 = tpu.memref_squeeze %dma_wait3A_397 : memref<1x128x128xf32, #tpu.memory_space<vmem>> -> memref<128x128xf32, #tpu.memory_space<vmem>>
      %dma_wait3A_399 = arith.constant 0 : i32
      %dma_wait3A_400 = tpu.memref_slice %arg6[%select_n3A_225, %dma_wait3A_393, %dma_wait3A_399] : memref<2x8x128xi32, #tpu.memory_space<vmem>> -> memref<1x1x128xi32, #tpu.memory_space<vmem>>
      %dma_wait3A_401 = tpu.memref_squeeze %dma_wait3A_400 : memref<1x1x128xi32, #tpu.memory_space<vmem>> -> memref<128xi32, #tpu.memory_space<vmem>>
      %dma_wait3A_402 = arith.constant 0 : i32
      %dma_wait3A_403 = arith.constant 0 : i32
      %dma_wait3A_404 = tpu.memref_slice %arg2[%dma_wait3A_402, %dma_wait3A_403] : memref<10000x128xf32, #tpu.memory_space<hbm>> -> memref<10000x128xf32, #tpu.memory_space<hbm>>
      tpu.wait_indirect_dma semaphore(%arg11 : memref<!tpu.dma_semaphore, #tpu.memory_space<semaphore_mem>>) src(%dma_wait3A_404 : memref<10000x128xf32, #tpu.memory_space<hbm>>) dst(%dma_wait3A_398 : memref<128x128xf32, #tpu.memory_space<vmem>>)
      %dma_start3A_405 = arith.constant 1 : i32
      %dma_start3A_406 = arith.constant 3 : i32
      %dma_start3A_407 = arith.constant 0 : i32
      %dma_start3A_408 = arith.constant 0 : i32
      %dma_start3A_409 = tpu.memref_slice %arg8[%dma_start3A_405, %dma_start3A_407, %dma_start3A_408] : memref<2x128x128xf32, #tpu.memory_space<vmem>> -> memref<1x128x128xf32, #tpu.memory_space<vmem>>
      %dma_start3A_410 = tpu.memref_squeeze %dma_start3A_409 : memref<1x128x128xf32, #tpu.memory_space<vmem>> -> memref<128x128xf32, #tpu.memory_space<vmem>>
      %dma_start3A_411 = arith.constant 0 : i32
      %dma_start3A_412 = tpu.memref_slice %arg7[%select_n3A_225, %dma_start3A_406, %dma_start3A_411] : memref<2x8x128xi32, #tpu.memory_space<vmem>> -> memref<1x1x128xi32, #tpu.memory_space<vmem>>
      %dma_start3A_413 = tpu.memref_squeeze %dma_start3A_412 : memref<1x1x128xi32, #tpu.memory_space<vmem>> -> memref<128xi32, #tpu.memory_space<vmem>>
      %dma_start3A_414 = arith.constant 0 : i32
      %dma_start3A_415 = arith.constant 0 : i32
      %dma_start3A_416 = tpu.memref_slice %arg9[%dma_start3A_414, %dma_start3A_415] : memref<10240x128xf32, #tpu.memory_space<vmem_shared>> -> memref<10240x128xf32, #tpu.memory_space<vmem_shared>>
      tpu.enqueue_indirect_dma source(%dma_start3A_410 : memref<128x128xf32, #tpu.memory_space<vmem>>) target(%dma_start3A_416 : memref<10240x128xf32, #tpu.memory_space<vmem_shared>>) offsets(%dma_start3A_413 : memref<128xi32, #tpu.memory_space<vmem>>) semaphore(%arg13 : memref<!tpu.dma_semaphore, #tpu.memory_space<semaphore_mem>>) {add = true}
      %dma_wait3A_417 = arith.constant 1 : i32
      %dma_wait3A_418 = arith.constant 3 : i32
      %dma_wait3A_419 = arith.constant 0 : i32
      %dma_wait3A_420 = arith.constant 0 : i32
      %dma_wait3A_421 = tpu.memref_slice %arg8[%dma_wait3A_417, %dma_wait3A_419, %dma_wait3A_420] : memref<2x128x128xf32, #tpu.memory_space<vmem>> -> memref<1x128x128xf32, #tpu.memory_space<vmem>>
      %dma_wait3A_422 = tpu.memref_squeeze %dma_wait3A_421 : memref<1x128x128xf32, #tpu.memory_space<vmem>> -> memref<128x128xf32, #tpu.memory_space<vmem>>
      %dma_wait3A_423 = arith.constant 0 : i32
      %dma_wait3A_424 = tpu.memref_slice %arg7[%select_n3A_225, %dma_wait3A_418, %dma_wait3A_423] : memref<2x8x128xi32, #tpu.memory_space<vmem>> -> memref<1x1x128xi32, #tpu.memory_space<vmem>>
      %dma_wait3A_425 = tpu.memref_squeeze %dma_wait3A_424 : memref<1x1x128xi32, #tpu.memory_space<vmem>> -> memref<128xi32, #tpu.memory_space<vmem>>
      %dma_wait3A_426 = arith.constant 0 : i32
      %dma_wait3A_427 = arith.constant 0 : i32
      %dma_wait3A_428 = tpu.memref_slice %arg9[%dma_wait3A_426, %dma_wait3A_427] : memref<10240x128xf32, #tpu.memory_space<vmem_shared>> -> memref<10240x128xf32, #tpu.memory_space<vmem_shared>>
      tpu.wait_indirect_dma semaphore(%arg13 : memref<!tpu.dma_semaphore, #tpu.memory_space<semaphore_mem>>) src(%dma_wait3A_422 : memref<128x128xf32, #tpu.memory_space<vmem>>) dst(%dma_wait3A_428 : memref<10240x128xf32, #tpu.memory_space<vmem_shared>>)
      %dma_start3A_429 = arith.constant 5 : i32
      %dma_start3A_430 = arith.constant 1 : i32
      %dma_start3A_431 = arith.constant 0 : i32
      %dma_start3A_432 = arith.constant 0 : i32
      %dma_start3A_433 = tpu.memref_slice %arg8[%dma_start3A_430, %dma_start3A_431, %dma_start3A_432] : memref<2x128x128xf32, #tpu.memory_space<vmem>> -> memref<1x128x128xf32, #tpu.memory_space<vmem>>
      %dma_start3A_434 = tpu.memref_squeeze %dma_start3A_433 : memref<1x128x128xf32, #tpu.memory_space<vmem>> -> memref<128x128xf32, #tpu.memory_space<vmem>>
      %dma_start3A_435 = arith.constant 0 : i32
      %dma_start3A_436 = tpu.memref_slice %arg6[%select_n3A_225, %dma_start3A_429, %dma_start3A_435] : memref<2x8x128xi32, #tpu.memory_space<vmem>> -> memref<1x1x128xi32, #tpu.memory_space<vmem>>
      %dma_start3A_437 = tpu.memref_squeeze %dma_start3A_436 : memref<1x1x128xi32, #tpu.memory_space<vmem>> -> memref<128xi32, #tpu.memory_space<vmem>>
      %dma_start3A_438 = arith.constant 0 : i32
      %dma_start3A_439 = arith.constant 0 : i32
      %dma_start3A_440 = tpu.memref_slice %arg2[%dma_start3A_438, %dma_start3A_439] : memref<10000x128xf32, #tpu.memory_space<hbm>> -> memref<10000x128xf32, #tpu.memory_space<hbm>>
      tpu.enqueue_indirect_dma source(%dma_start3A_440 : memref<10000x128xf32, #tpu.memory_space<hbm>>) target(%dma_start3A_434 : memref<128x128xf32, #tpu.memory_space<vmem>>) offsets(%dma_start3A_437 : memref<128xi32, #tpu.memory_space<vmem>>) semaphore(%arg11 : memref<!tpu.dma_semaphore, #tpu.memory_space<semaphore_mem>>)
      %dma_wait3A_441 = arith.constant 4 : i32
      %dma_wait3A_442 = arith.constant 0 : i32
      %dma_wait3A_443 = arith.constant 0 : i32
      %dma_wait3A_444 = arith.constant 0 : i32
      %dma_wait3A_445 = tpu.memref_slice %arg8[%dma_wait3A_442, %dma_wait3A_443, %dma_wait3A_444] : memref<2x128x128xf32, #tpu.memory_space<vmem>> -> memref<1x128x128xf32, #tpu.memory_space<vmem>>
      %dma_wait3A_446 = tpu.memref_squeeze %dma_wait3A_445 : memref<1x128x128xf32, #tpu.memory_space<vmem>> -> memref<128x128xf32, #tpu.memory_space<vmem>>
      %dma_wait3A_447 = arith.constant 0 : i32
      %dma_wait3A_448 = tpu.memref_slice %arg6[%select_n3A_225, %dma_wait3A_441, %dma_wait3A_447] : memref<2x8x128xi32, #tpu.memory_space<vmem>> -> memref<1x1x128xi32, #tpu.memory_space<vmem>>
      %dma_wait3A_449 = tpu.memref_squeeze %dma_wait3A_448 : memref<1x1x128xi32, #tpu.memory_space<vmem>> -> memref<128xi32, #tpu.memory_space<vmem>>
      %dma_wait3A_450 = arith.constant 0 : i32
      %dma_wait3A_451 = arith.constant 0 : i32
      %dma_wait3A_452 = tpu.memref_slice %arg2[%dma_wait3A_450, %dma_wait3A_451] : memref<10000x128xf32, #tpu.memory_space<hbm>> -> memref<10000x128xf32, #tpu.memory_space<hbm>>
      tpu.wait_indirect_dma semaphore(%arg10 : memref<!tpu.dma_semaphore, #tpu.memory_space<semaphore_mem>>) src(%dma_wait3A_452 : memref<10000x128xf32, #tpu.memory_space<hbm>>) dst(%dma_wait3A_446 : memref<128x128xf32, #tpu.memory_space<vmem>>)
      %dma_start3A_453 = arith.constant 0 : i32
      %dma_start3A_454 = arith.constant 4 : i32
      %dma_start3A_455 = arith.constant 0 : i32
      %dma_start3A_456 = arith.constant 0 : i32
      %dma_start3A_457 = tpu.memref_slice %arg8[%dma_start3A_453, %dma_start3A_455, %dma_start3A_456] : memref<2x128x128xf32, #tpu.memory_space<vmem>> -> memref<1x128x128xf32, #tpu.memory_space<vmem>>
      %dma_start3A_458 = tpu.memref_squeeze %dma_start3A_457 : memref<1x128x128xf32, #tpu.memory_space<vmem>> -> memref<128x128xf32, #tpu.memory_space<vmem>>
      %dma_start3A_459 = arith.constant 0 : i32
      %dma_start3A_460 = tpu.memref_slice %arg7[%select_n3A_225, %dma_start3A_454, %dma_start3A_459] : memref<2x8x128xi32, #tpu.memory_space<vmem>> -> memref<1x1x128xi32, #tpu.memory_space<vmem>>
      %dma_start3A_461 = tpu.memref_squeeze %dma_start3A_460 : memref<1x1x128xi32, #tpu.memory_space<vmem>> -> memref<128xi32, #tpu.memory_space<vmem>>
      %dma_start3A_462 = arith.constant 0 : i32
      %dma_start3A_463 = arith.constant 0 : i32
      %dma_start3A_464 = tpu.memref_slice %arg9[%dma_start3A_462, %dma_start3A_463] : memref<10240x128xf32, #tpu.memory_space<vmem_shared>> -> memref<10240x128xf32, #tpu.memory_space<vmem_shared>>
      tpu.enqueue_indirect_dma source(%dma_start3A_458 : memref<128x128xf32, #tpu.memory_space<vmem>>) target(%dma_start3A_464 : memref<10240x128xf32, #tpu.memory_space<vmem_shared>>) offsets(%dma_start3A_461 : memref<128xi32, #tpu.memory_space<vmem>>) semaphore(%arg12 : memref<!tpu.dma_semaphore, #tpu.memory_space<semaphore_mem>>) {add = true}
      %dma_wait3A_465 = arith.constant 0 : i32
      %dma_wait3A_466 = arith.constant 4 : i32
      %dma_wait3A_467 = arith.constant 0 : i32
      %dma_wait3A_468 = arith.constant 0 : i32
      %dma_wait3A_469 = tpu.memref_slice %arg8[%dma_wait3A_465, %dma_wait3A_467, %dma_wait3A_468] : memref<2x128x128xf32, #tpu.memory_space<vmem>> -> memref<1x128x128xf32, #tpu.memory_space<vmem>>
      %dma_wait3A_470 = tpu.memref_squeeze %dma_wait3A_469 : memref<1x128x128xf32, #tpu.memory_space<vmem>> -> memref<128x128xf32, #tpu.memory_space<vmem>>
      %dma_wait3A_471 = arith.constant 0 : i32
      %dma_wait3A_472 = tpu.memref_slice %arg7[%select_n3A_225, %dma_wait3A_466, %dma_wait3A_471] : memref<2x8x128xi32, #tpu.memory_space<vmem>> -> memref<1x1x128xi32, #tpu.memory_space<vmem>>
      %dma_wait3A_473 = tpu.memref_squeeze %dma_wait3A_472 : memref<1x1x128xi32, #tpu.memory_space<vmem>> -> memref<128xi32, #tpu.memory_space<vmem>>
      %dma_wait3A_474 = arith.constant 0 : i32
      %dma_wait3A_475 = arith.constant 0 : i32
      %dma_wait3A_476 = tpu.memref_slice %arg9[%dma_wait3A_474, %dma_wait3A_475] : memref<10240x128xf32, #tpu.memory_space<vmem_shared>> -> memref<10240x128xf32, #tpu.memory_space<vmem_shared>>
      tpu.wait_indirect_dma semaphore(%arg12 : memref<!tpu.dma_semaphore, #tpu.memory_space<semaphore_mem>>) src(%dma_wait3A_470 : memref<128x128xf32, #tpu.memory_space<vmem>>) dst(%dma_wait3A_476 : memref<10240x128xf32, #tpu.memory_space<vmem_shared>>)
      %dma_start3A_477 = arith.constant 6 : i32
      %dma_start3A_478 = arith.constant 0 : i32
      %dma_start3A_479 = arith.constant 0 : i32
      %dma_start3A_480 = arith.constant 0 : i32
      %dma_start3A_481 = tpu.memref_slice %arg8[%dma_start3A_478, %dma_start3A_479, %dma_start3A_480] : memref<2x128x128xf32, #tpu.memory_space<vmem>> -> memref<1x128x128xf32, #tpu.memory_space<vmem>>
      %dma_start3A_482 = tpu.memref_squeeze %dma_start3A_481 : memref<1x128x128xf32, #tpu.memory_space<vmem>> -> memref<128x128xf32, #tpu.memory_space<vmem>>
      %dma_start3A_483 = arith.constant 0 : i32
      %dma_start3A_484 = tpu.memref_slice %arg6[%select_n3A_225, %dma_start3A_477, %dma_start3A_483] : memref<2x8x128xi32, #tpu.memory_space<vmem>> -> memref<1x1x128xi32, #tpu.memory_space<vmem>>
      %dma_start3A_485 = tpu.memref_squeeze %dma_start3A_484 : memref<1x1x128xi32, #tpu.memory_space<vmem>> -> memref<128xi32, #tpu.memory_space<vmem>>
      %dma_start3A_486 = arith.constant 0 : i32
      %dma_start3A_487 = arith.constant 0 : i32
      %dma_start3A_488 = tpu.memref_slice %arg2[%dma_start3A_486, %dma_start3A_487] : memref<10000x128xf32, #tpu.memory_space<hbm>> -> memref<10000x128xf32, #tpu.memory_space<hbm>>
      tpu.enqueue_indirect_dma source(%dma_start3A_488 : memref<10000x128xf32, #tpu.memory_space<hbm>>) target(%dma_start3A_482 : memref<128x128xf32, #tpu.memory_space<vmem>>) offsets(%dma_start3A_485 : memref<128xi32, #tpu.memory_space<vmem>>) semaphore(%arg10 : memref<!tpu.dma_semaphore, #tpu.memory_space<semaphore_mem>>)
      %dma_wait3A_489 = arith.constant 5 : i32
      %dma_wait3A_490 = arith.constant 1 : i32
      %dma_wait3A_491 = arith.constant 0 : i32
      %dma_wait3A_492 = arith.constant 0 : i32
      %dma_wait3A_493 = tpu.memref_slice %arg8[%dma_wait3A_490, %dma_wait3A_491, %dma_wait3A_492] : memref<2x128x128xf32, #tpu.memory_space<vmem>> -> memref<1x128x128xf32, #tpu.memory_space<vmem>>
      %dma_wait3A_494 = tpu.memref_squeeze %dma_wait3A_493 : memref<1x128x128xf32, #tpu.memory_space<vmem>> -> memref<128x128xf32, #tpu.memory_space<vmem>>
      %dma_wait3A_495 = arith.constant 0 : i32
      %dma_wait3A_496 = tpu.memref_slice %arg6[%select_n3A_225, %dma_wait3A_489, %dma_wait3A_495] : memref<2x8x128xi32, #tpu.memory_space<vmem>> -> memref<1x1x128xi32, #tpu.memory_space<vmem>>
      %dma_wait3A_497 = tpu.memref_squeeze %dma_wait3A_496 : memref<1x1x128xi32, #tpu.memory_space<vmem>> -> memref<128xi32, #tpu.memory_space<vmem>>
      %dma_wait3A_498 = arith.constant 0 : i32
      %dma_wait3A_499 = arith.constant 0 : i32
      %dma_wait3A_500 = tpu.memref_slice %arg2[%dma_wait3A_498, %dma_wait3A_499] : memref<10000x128xf32, #tpu.memory_space<hbm>> -> memref<10000x128xf32, #tpu.memory_space<hbm>>
      tpu.wait_indirect_dma semaphore(%arg11 : memref<!tpu.dma_semaphore, #tpu.memory_space<semaphore_mem>>) src(%dma_wait3A_500 : memref<10000x128xf32, #tpu.memory_space<hbm>>) dst(%dma_wait3A_494 : memref<128x128xf32, #tpu.memory_space<vmem>>)
      %dma_start3A_501 = arith.constant 1 : i32
      %dma_start3A_502 = arith.constant 5 : i32
      %dma_start3A_503 = arith.constant 0 : i32
      %dma_start3A_504 = arith.constant 0 : i32
      %dma_start3A_505 = tpu.memref_slice %arg8[%dma_start3A_501, %dma_start3A_503, %dma_start3A_504] : memref<2x128x128xf32, #tpu.memory_space<vmem>> -> memref<1x128x128xf32, #tpu.memory_space<vmem>>
      %dma_start3A_506 = tpu.memref_squeeze %dma_start3A_505 : memref<1x128x128xf32, #tpu.memory_space<vmem>> -> memref<128x128xf32, #tpu.memory_space<vmem>>
      %dma_start3A_507 = arith.constant 0 : i32
      %dma_start3A_508 = tpu.memref_slice %arg7[%select_n3A_225, %dma_start3A_502, %dma_start3A_507] : memref<2x8x128xi32, #tpu.memory_space<vmem>> -> memref<1x1x128xi32, #tpu.memory_space<vmem>>
      %dma_start3A_509 = tpu.memref_squeeze %dma_start3A_508 : memref<1x1x128xi32, #tpu.memory_space<vmem>> -> memref<128xi32, #tpu.memory_space<vmem>>
      %dma_start3A_510 = arith.constant 0 : i32
      %dma_start3A_511 = arith.constant 0 : i32
      %dma_start3A_512 = tpu.memref_slice %arg9[%dma_start3A_510, %dma_start3A_511] : memref<10240x128xf32, #tpu.memory_space<vmem_shared>> -> memref<10240x128xf32, #tpu.memory_space<vmem_shared>>
      tpu.enqueue_indirect_dma source(%dma_start3A_506 : memref<128x128xf32, #tpu.memory_space<vmem>>) target(%dma_start3A_512 : memref<10240x128xf32, #tpu.memory_space<vmem_shared>>) offsets(%dma_start3A_509 : memref<128xi32, #tpu.memory_space<vmem>>) semaphore(%arg13 : memref<!tpu.dma_semaphore, #tpu.memory_space<semaphore_mem>>) {add = true}
      %dma_wait3A_513 = arith.constant 1 : i32
      %dma_wait3A_514 = arith.constant 5 : i32
      %dma_wait3A_515 = arith.constant 0 : i32
      %dma_wait3A_516 = arith.constant 0 : i32
      %dma_wait3A_517 = tpu.memref_slice %arg8[%dma_wait3A_513, %dma_wait3A_515, %dma_wait3A_516] : memref<2x128x128xf32, #tpu.memory_space<vmem>> -> memref<1x128x128xf32, #tpu.memory_space<vmem>>
      %dma_wait3A_518 = tpu.memref_squeeze %dma_wait3A_517 : memref<1x128x128xf32, #tpu.memory_space<vmem>> -> memref<128x128xf32, #tpu.memory_space<vmem>>
      %dma_wait3A_519 = arith.constant 0 : i32
      %dma_wait3A_520 = tpu.memref_slice %arg7[%select_n3A_225, %dma_wait3A_514, %dma_wait3A_519] : memref<2x8x128xi32, #tpu.memory_space<vmem>> -> memref<1x1x128xi32, #tpu.memory_space<vmem>>
      %dma_wait3A_521 = tpu.memref_squeeze %dma_wait3A_520 : memref<1x1x128xi32, #tpu.memory_space<vmem>> -> memref<128xi32, #tpu.memory_space<vmem>>
      %dma_wait3A_522 = arith.constant 0 : i32
      %dma_wait3A_523 = arith.constant 0 : i32
      %dma_wait3A_524 = tpu.memref_slice %arg9[%dma_wait3A_522, %dma_wait3A_523] : memref<10240x128xf32, #tpu.memory_space<vmem_shared>> -> memref<10240x128xf32, #tpu.memory_space<vmem_shared>>
      tpu.wait_indirect_dma semaphore(%arg13 : memref<!tpu.dma_semaphore, #tpu.memory_space<semaphore_mem>>) src(%dma_wait3A_518 : memref<128x128xf32, #tpu.memory_space<vmem>>) dst(%dma_wait3A_524 : memref<10240x128xf32, #tpu.memory_space<vmem_shared>>)
      %dma_start3A_525 = arith.constant 7 : i32
      %dma_start3A_526 = arith.constant 1 : i32
      %dma_start3A_527 = arith.constant 0 : i32
      %dma_start3A_528 = arith.constant 0 : i32
      %dma_start3A_529 = tpu.memref_slice %arg8[%dma_start3A_526, %dma_start3A_527, %dma_start3A_528] : memref<2x128x128xf32, #tpu.memory_space<vmem>> -> memref<1x128x128xf32, #tpu.memory_space<vmem>>
      %dma_start3A_530 = tpu.memref_squeeze %dma_start3A_529 : memref<1x128x128xf32, #tpu.memory_space<vmem>> -> memref<128x128xf32, #tpu.memory_space<vmem>>
      %dma_start3A_531 = arith.constant 0 : i32
      %dma_start3A_532 = tpu.memref_slice %arg6[%select_n3A_225, %dma_start3A_525, %dma_start3A_531] : memref<2x8x128xi32, #tpu.memory_space<vmem>> -> memref<1x1x128xi32, #tpu.memory_space<vmem>>
      %dma_start3A_533 = tpu.memref_squeeze %dma_start3A_532 : memref<1x1x128xi32, #tpu.memory_space<vmem>> -> memref<128xi32, #tpu.memory_space<vmem>>
      %dma_start3A_534 = arith.constant 0 : i32
      %dma_start3A_535 = arith.constant 0 : i32
      %dma_start3A_536 = tpu.memref_slice %arg2[%dma_start3A_534, %dma_start3A_535] : memref<10000x128xf32, #tpu.memory_space<hbm>> -> memref<10000x128xf32, #tpu.memory_space<hbm>>
      tpu.enqueue_indirect_dma source(%dma_start3A_536 : memref<10000x128xf32, #tpu.memory_space<hbm>>) target(%dma_start3A_530 : memref<128x128xf32, #tpu.memory_space<vmem>>) offsets(%dma_start3A_533 : memref<128xi32, #tpu.memory_space<vmem>>) semaphore(%arg11 : memref<!tpu.dma_semaphore, #tpu.memory_space<semaphore_mem>>)
      %dma_wait3A_537 = arith.constant 6 : i32
      %dma_wait3A_538 = arith.constant 0 : i32
      %dma_wait3A_539 = arith.constant 0 : i32
      %dma_wait3A_540 = arith.constant 0 : i32
      %dma_wait3A_541 = tpu.memref_slice %arg8[%dma_wait3A_538, %dma_wait3A_539, %dma_wait3A_540] : memref<2x128x128xf32, #tpu.memory_space<vmem>> -> memref<1x128x128xf32, #tpu.memory_space<vmem>>
      %dma_wait3A_542 = tpu.memref_squeeze %dma_wait3A_541 : memref<1x128x128xf32, #tpu.memory_space<vmem>> -> memref<128x128xf32, #tpu.memory_space<vmem>>
      %dma_wait3A_543 = arith.constant 0 : i32
      %dma_wait3A_544 = tpu.memref_slice %arg6[%select_n3A_225, %dma_wait3A_537, %dma_wait3A_543] : memref<2x8x128xi32, #tpu.memory_space<vmem>> -> memref<1x1x128xi32, #tpu.memory_space<vmem>>
      %dma_wait3A_545 = tpu.memref_squeeze %dma_wait3A_544 : memref<1x1x128xi32, #tpu.memory_space<vmem>> -> memref<128xi32, #tpu.memory_space<vmem>>
      %dma_wait3A_546 = arith.constant 0 : i32
      %dma_wait3A_547 = arith.constant 0 : i32
      %dma_wait3A_548 = tpu.memref_slice %arg2[%dma_wait3A_546, %dma_wait3A_547] : memref<10000x128xf32, #tpu.memory_space<hbm>> -> memref<10000x128xf32, #tpu.memory_space<hbm>>
      tpu.wait_indirect_dma semaphore(%arg10 : memref<!tpu.dma_semaphore, #tpu.memory_space<semaphore_mem>>) src(%dma_wait3A_548 : memref<10000x128xf32, #tpu.memory_space<hbm>>) dst(%dma_wait3A_542 : memref<128x128xf32, #tpu.memory_space<vmem>>)
      %dma_start3A_549 = arith.constant 0 : i32
      %dma_start3A_550 = arith.constant 6 : i32
      %dma_start3A_551 = arith.constant 0 : i32
      %dma_start3A_552 = arith.constant 0 : i32
      %dma_start3A_553 = tpu.memref_slice %arg8[%dma_start3A_549, %dma_start3A_551, %dma_start3A_552] : memref<2x128x128xf32, #tpu.memory_space<vmem>> -> memref<1x128x128xf32, #tpu.memory_space<vmem>>
      %dma_start3A_554 = tpu.memref_squeeze %dma_start3A_553 : memref<1x128x128xf32, #tpu.memory_space<vmem>> -> memref<128x128xf32, #tpu.memory_space<vmem>>
      %dma_start3A_555 = arith.constant 0 : i32
      %dma_start3A_556 = tpu.memref_slice %arg7[%select_n3A_225, %dma_start3A_550, %dma_start3A_555] : memref<2x8x128xi32, #tpu.memory_space<vmem>> -> memref<1x1x128xi32, #tpu.memory_space<vmem>>
      %dma_start3A_557 = tpu.memref_squeeze %dma_start3A_556 : memref<1x1x128xi32, #tpu.memory_space<vmem>> -> memref<128xi32, #tpu.memory_space<vmem>>
      %dma_start3A_558 = arith.constant 0 : i32
      %dma_start3A_559 = arith.constant 0 : i32
      %dma_start3A_560 = tpu.memref_slice %arg9[%dma_start3A_558, %dma_start3A_559] : memref<10240x128xf32, #tpu.memory_space<vmem_shared>> -> memref<10240x128xf32, #tpu.memory_space<vmem_shared>>
      tpu.enqueue_indirect_dma source(%dma_start3A_554 : memref<128x128xf32, #tpu.memory_space<vmem>>) target(%dma_start3A_560 : memref<10240x128xf32, #tpu.memory_space<vmem_shared>>) offsets(%dma_start3A_557 : memref<128xi32, #tpu.memory_space<vmem>>) semaphore(%arg12 : memref<!tpu.dma_semaphore, #tpu.memory_space<semaphore_mem>>) {add = true}
      %dma_wait3A_561 = arith.constant 0 : i32
      %dma_wait3A_562 = arith.constant 6 : i32
      %dma_wait3A_563 = arith.constant 0 : i32
      %dma_wait3A_564 = arith.constant 0 : i32
      %dma_wait3A_565 = tpu.memref_slice %arg8[%dma_wait3A_561, %dma_wait3A_563, %dma_wait3A_564] : memref<2x128x128xf32, #tpu.memory_space<vmem>> -> memref<1x128x128xf32, #tpu.memory_space<vmem>>
      %dma_wait3A_566 = tpu.memref_squeeze %dma_wait3A_565 : memref<1x128x128xf32, #tpu.memory_space<vmem>> -> memref<128x128xf32, #tpu.memory_space<vmem>>
      %dma_wait3A_567 = arith.constant 0 : i32
      %dma_wait3A_568 = tpu.memref_slice %arg7[%select_n3A_225, %dma_wait3A_562, %dma_wait3A_567] : memref<2x8x128xi32, #tpu.memory_space<vmem>> -> memref<1x1x128xi32, #tpu.memory_space<vmem>>
      %dma_wait3A_569 = tpu.memref_squeeze %dma_wait3A_568 : memref<1x1x128xi32, #tpu.memory_space<vmem>> -> memref<128xi32, #tpu.memory_space<vmem>>
      %dma_wait3A_570 = arith.constant 0 : i32
      %dma_wait3A_571 = arith.constant 0 : i32
      %dma_wait3A_572 = tpu.memref_slice %arg9[%dma_wait3A_570, %dma_wait3A_571] : memref<10240x128xf32, #tpu.memory_space<vmem_shared>> -> memref<10240x128xf32, #tpu.memory_space<vmem_shared>>
      tpu.wait_indirect_dma semaphore(%arg12 : memref<!tpu.dma_semaphore, #tpu.memory_space<semaphore_mem>>) src(%dma_wait3A_566 : memref<128x128xf32, #tpu.memory_space<vmem>>) dst(%dma_wait3A_572 : memref<10240x128xf32, #tpu.memory_space<vmem_shared>>)
      %add3A_573 = arith.constant 1 : i32
      %add3A_574 = arith.addi %scan3A_215, %add3A_573 : i32
      %lt3A_575 = arith.constant 10 : i32
      %lt3A_576 = arith.cmpi slt, %add3A_574, %lt3A_575 : i32
      %convert_element_type3A_577 = arith.extui %lt3A_576 : i1 to i32
      %cond3A_578 = arith.constant 0 : i32
      %cond3A_579 = arith.cmpi ne, %convert_element_type3A_577, %cond3A_578 : i32
      scf.if %cond3A_579 {
        %dma_start3A_624 = arith.constant 0 : i32
        %dma_start3A_625 = arith.constant 0 : i32
        %dma_start3A_626 = arith.constant 0 : i32
        %dma_start3A_627 = arith.constant 0 : i32
        %dma_start3A_628 = tpu.memref_slice %arg8[%dma_start3A_625, %dma_start3A_626, %dma_start3A_627] : memref<2x128x128xf32, #tpu.memory_space<vmem>> -> memref<1x128x128xf32, #tpu.memory_space<vmem>>
        %dma_start3A_629 = tpu.memref_squeeze %dma_start3A_628 : memref<1x128x128xf32, #tpu.memory_space<vmem>> -> memref<128x128xf32, #tpu.memory_space<vmem>>
        %dma_start3A_630 = arith.constant 0 : i32
        %dma_start3A_631 = tpu.memref_slice %arg6[%select_n3A_243, %dma_start3A_624, %dma_start3A_630] : memref<2x8x128xi32, #tpu.memory_space<vmem>> -> memref<1x1x128xi32, #tpu.memory_space<vmem>>
        %dma_start3A_632 = tpu.memref_squeeze %dma_start3A_631 : memref<1x1x128xi32, #tpu.memory_space<vmem>> -> memref<128xi32, #tpu.memory_space<vmem>>
        %dma_start3A_633 = arith.constant 0 : i32
        %dma_start3A_634 = arith.constant 0 : i32
        %dma_start3A_635 = tpu.memref_slice %arg2[%dma_start3A_633, %dma_start3A_634] : memref<10000x128xf32, #tpu.memory_space<hbm>> -> memref<10000x128xf32, #tpu.memory_space<hbm>>
        tpu.enqueue_indirect_dma source(%dma_start3A_635 : memref<10000x128xf32, #tpu.memory_space<hbm>>) target(%dma_start3A_629 : memref<128x128xf32, #tpu.memory_space<vmem>>) offsets(%dma_start3A_632 : memref<128xi32, #tpu.memory_space<vmem>>) semaphore(%arg10 : memref<!tpu.dma_semaphore, #tpu.memory_space<semaphore_mem>>)
      } else {
      }
      %dma_wait3A_580 = arith.constant 7 : i32
      %dma_wait3A_581 = arith.constant 1 : i32
      %dma_wait3A_582 = arith.constant 0 : i32
      %dma_wait3A_583 = arith.constant 0 : i32
      %dma_wait3A_584 = tpu.memref_slice %arg8[%dma_wait3A_581, %dma_wait3A_582, %dma_wait3A_583] : memref<2x128x128xf32, #tpu.memory_space<vmem>> -> memref<1x128x128xf32, #tpu.memory_space<vmem>>
      %dma_wait3A_585 = tpu.memref_squeeze %dma_wait3A_584 : memref<1x128x128xf32, #tpu.memory_space<vmem>> -> memref<128x128xf32, #tpu.memory_space<vmem>>
      %dma_wait3A_586 = arith.constant 0 : i32
      %dma_wait3A_587 = tpu.memref_slice %arg6[%select_n3A_225, %dma_wait3A_580, %dma_wait3A_586] : memref<2x8x128xi32, #tpu.memory_space<vmem>> -> memref<1x1x128xi32, #tpu.memory_space<vmem>>
      %dma_wait3A_588 = tpu.memref_squeeze %dma_wait3A_587 : memref<1x1x128xi32, #tpu.memory_space<vmem>> -> memref<128xi32, #tpu.memory_space<vmem>>
      %dma_wait3A_589 = arith.constant 0 : i32
      %dma_wait3A_590 = arith.constant 0 : i32
      %dma_wait3A_591 = tpu.memref_slice %arg2[%dma_wait3A_589, %dma_wait3A_590] : memref<10000x128xf32, #tpu.memory_space<hbm>> -> memref<10000x128xf32, #tpu.memory_space<hbm>>
      tpu.wait_indirect_dma semaphore(%arg11 : memref<!tpu.dma_semaphore, #tpu.memory_space<semaphore_mem>>) src(%dma_wait3A_591 : memref<10000x128xf32, #tpu.memory_space<hbm>>) dst(%dma_wait3A_585 : memref<128x128xf32, #tpu.memory_space<vmem>>)
      %dma_start3A_592 = arith.constant 1 : i32
      %dma_start3A_593 = arith.constant 7 : i32
      %dma_start3A_594 = arith.constant 0 : i32
      %dma_start3A_595 = arith.constant 0 : i32
      %dma_start3A_596 = tpu.memref_slice %arg8[%dma_start3A_592, %dma_start3A_594, %dma_start3A_595] : memref<2x128x128xf32, #tpu.memory_space<vmem>> -> memref<1x128x128xf32, #tpu.memory_space<vmem>>
      %dma_start3A_597 = tpu.memref_squeeze %dma_start3A_596 : memref<1x128x128xf32, #tpu.memory_space<vmem>> -> memref<128x128xf32, #tpu.memory_space<vmem>>
      %dma_start3A_598 = arith.constant 0 : i32
      %dma_start3A_599 = tpu.memref_slice %arg7[%select_n3A_225, %dma_start3A_593, %dma_start3A_598] : memref<2x8x128xi32, #tpu.memory_space<vmem>> -> memref<1x1x128xi32, #tpu.memory_space<vmem>>
      %dma_start3A_600 = tpu.memref_squeeze %dma_start3A_599 : memref<1x1x128xi32, #tpu.memory_space<vmem>> -> memref<128xi32, #tpu.memory_space<vmem>>
      %dma_start3A_601 = arith.constant 0 : i32
      %dma_start3A_602 = arith.constant 0 : i32
      %dma_start3A_603 = tpu.memref_slice %arg9[%dma_start3A_601, %dma_start3A_602] : memref<10240x128xf32, #tpu.memory_space<vmem_shared>> -> memref<10240x128xf32, #tpu.memory_space<vmem_shared>>
      tpu.enqueue_indirect_dma source(%dma_start3A_597 : memref<128x128xf32, #tpu.memory_space<vmem>>) target(%dma_start3A_603 : memref<10240x128xf32, #tpu.memory_space<vmem_shared>>) offsets(%dma_start3A_600 : memref<128xi32, #tpu.memory_space<vmem>>) semaphore(%arg13 : memref<!tpu.dma_semaphore, #tpu.memory_space<semaphore_mem>>) {add = true}
      %dma_wait3A_604 = arith.constant 1 : i32
      %dma_wait3A_605 = arith.constant 7 : i32
      %dma_wait3A_606 = arith.constant 0 : i32
      %dma_wait3A_607 = arith.constant 0 : i32
      %dma_wait3A_608 = tpu.memref_slice %arg8[%dma_wait3A_604, %dma_wait3A_606, %dma_wait3A_607] : memref<2x128x128xf32, #tpu.memory_space<vmem>> -> memref<1x128x128xf32, #tpu.memory_space<vmem>>
      %dma_wait3A_609 = tpu.memref_squeeze %dma_wait3A_608 : memref<1x128x128xf32, #tpu.memory_space<vmem>> -> memref<128x128xf32, #tpu.memory_space<vmem>>
      %dma_wait3A_610 = arith.constant 0 : i32
      %dma_wait3A_611 = tpu.memref_slice %arg7[%select_n3A_225, %dma_wait3A_605, %dma_wait3A_610] : memref<2x8x128xi32, #tpu.memory_space<vmem>> -> memref<1x1x128xi32, #tpu.memory_space<vmem>>
      %dma_wait3A_612 = tpu.memref_squeeze %dma_wait3A_611 : memref<1x1x128xi32, #tpu.memory_space<vmem>> -> memref<128xi32, #tpu.memory_space<vmem>>
      %dma_wait3A_613 = arith.constant 0 : i32
      %dma_wait3A_614 = arith.constant 0 : i32
      %dma_wait3A_615 = tpu.memref_slice %arg9[%dma_wait3A_613, %dma_wait3A_614] : memref<10240x128xf32, #tpu.memory_space<vmem_shared>> -> memref<10240x128xf32, #tpu.memory_space<vmem_shared>>
      tpu.wait_indirect_dma semaphore(%arg13 : memref<!tpu.dma_semaphore, #tpu.memory_space<semaphore_mem>>) src(%dma_wait3A_609 : memref<128x128xf32, #tpu.memory_space<vmem>>) dst(%dma_wait3A_615 : memref<10240x128xf32, #tpu.memory_space<vmem_shared>>)
      %add3A_616 = arith.constant 1 : i32
      %add3A_617 = arith.addi %scan3A_215, %add3A_616 : i32
      %lt3A_618 = arith.constant 10 : i32
      %lt3A_619 = arith.cmpi slt, %add3A_617, %lt3A_618 : i32
      %convert_element_type3A_620 = arith.extui %lt3A_619 : i1 to i32
      %cond3A_621 = arith.constant 0 : i32
      %cond3A_622 = arith.cmpi ne, %convert_element_type3A_620, %cond3A_621 : i32
      scf.if %cond3A_622 {
        %dma_start3A_624 = arith.constant 1 : i32
        %dma_start3A_625 = arith.constant 1 : i32
        %dma_start3A_626 = arith.constant 0 : i32
        %dma_start3A_627 = arith.constant 0 : i32
        %dma_start3A_628 = tpu.memref_slice %arg8[%dma_start3A_625, %dma_start3A_626, %dma_start3A_627] : memref<2x128x128xf32, #tpu.memory_space<vmem>> -> memref<1x128x128xf32, #tpu.memory_space<vmem>>
        %dma_start3A_629 = tpu.memref_squeeze %dma_start3A_628 : memref<1x128x128xf32, #tpu.memory_space<vmem>> -> memref<128x128xf32, #tpu.memory_space<vmem>>
        %dma_start3A_630 = arith.constant 0 : i32
        %dma_start3A_631 = tpu.memref_slice %arg6[%select_n3A_243, %dma_start3A_624, %dma_start3A_630] : memref<2x8x128xi32, #tpu.memory_space<vmem>> -> memref<1x1x128xi32, #tpu.memory_space<vmem>>
        %dma_start3A_632 = tpu.memref_squeeze %dma_start3A_631 : memref<1x1x128xi32, #tpu.memory_space<vmem>> -> memref<128xi32, #tpu.memory_space<vmem>>
        %dma_start3A_633 = arith.constant 0 : i32
        %dma_start3A_634 = arith.constant 0 : i32
        %dma_start3A_635 = tpu.memref_slice %arg2[%dma_start3A_633, %dma_start3A_634] : memref<10000x128xf32, #tpu.memory_space<hbm>> -> memref<10000x128xf32, #tpu.memory_space<hbm>>
        tpu.enqueue_indirect_dma source(%dma_start3A_635 : memref<10000x128xf32, #tpu.memory_space<hbm>>) target(%dma_start3A_629 : memref<128x128xf32, #tpu.memory_space<vmem>>) offsets(%dma_start3A_632 : memref<128xi32, #tpu.memory_space<vmem>>) semaphore(%arg11 : memref<!tpu.dma_semaphore, #tpu.memory_space<semaphore_mem>>)
      } else {
      }
      %scan3A_623 = arith.constant 0 : i32
      scf.yield %scan3A_623 : i32
    }
    %scan3A_49 = arith.constant 10 : i32
    %barrier3A_50 = arith.constant 0 : index
    tpu.barrier barrier_id(%barrier3A_50)
    %add3A_51 = arith.constant 0 : i32
    %add3A_52 = arith.addi %mul3A_22, %add3A_51 : i32
    %run_scoped3A_53 = arith.constant 0 : i32
    "tpu.region"() ({
      %run_scoped3A_215 = tpu.sem_alloc : memref<!tpu.dma_semaphore, #tpu.memory_space<semaphore_mem>>
      %dma_start3A_216 = arith.constant 0 : i32
      %dma_start3A_217 = arith.constant 0 : i32
      %dma_start3A_218 = tpu.memref_slice %arg8[%run_scoped3A_53, %dma_start3A_216, %dma_start3A_217] : memref<2x128x128xf32, #tpu.memory_space<vmem>> -> memref<1x128x128xf32, #tpu.memory_space<vmem>>
      %dma_start3A_219 = tpu.memref_squeeze %dma_start3A_218 : memref<1x128x128xf32, #tpu.memory_space<vmem>> -> memref<128x128xf32, #tpu.memory_space<vmem>>
      %dma_start3A_220 = arith.constant 0 : i32
      %dma_start3A_221 = tpu.memref_slice %arg9[%add3A_52, %dma_start3A_220] : memref<10240x128xf32, #tpu.memory_space<vmem_shared>> -> memref<128x128xf32, #tpu.memory_space<vmem_shared>>
      %dma_start3A_222 = arith.constant 0 : i32
      %dma_start3A_223 = arith.constant 0 : i32
      %dma_start3A_224 = tpu.memref_slice %arg8[%run_scoped3A_53, %dma_start3A_222, %dma_start3A_223] : memref<2x128x128xf32, #tpu.memory_space<vmem>> -> memref<1x128x128xf32, #tpu.memory_space<vmem>>
      %dma_start3A_225 = tpu.memref_squeeze %dma_start3A_224 : memref<1x128x128xf32, #tpu.memory_space<vmem>> -> memref<128x128xf32, #tpu.memory_space<vmem>>
      %dma_start3A_226 = arith.constant 0 : i32
      %dma_start3A_227 = tpu.memref_slice %arg9[%add3A_52, %dma_start3A_226] : memref<10240x128xf32, #tpu.memory_space<vmem_shared>> -> memref<128x128xf32, #tpu.memory_space<vmem_shared>>
      tpu.enqueue_dma source(%dma_start3A_227 : memref<128x128xf32, #tpu.memory_space<vmem_shared>>) target(%dma_start3A_225 : memref<128x128xf32, #tpu.memory_space<vmem>>) target_semaphore(%run_scoped3A_215 : memref<!tpu.dma_semaphore, #tpu.memory_space<semaphore_mem>>)
      %dma_wait3A_228 = arith.constant 0 : i32
      %dma_wait3A_229 = arith.constant 0 : i32
      %dma_wait3A_230 = tpu.memref_slice %arg8[%run_scoped3A_53, %dma_wait3A_228, %dma_wait3A_229] : memref<2x128x128xf32, #tpu.memory_space<vmem>> -> memref<1x128x128xf32, #tpu.memory_space<vmem>>
      %dma_wait3A_231 = tpu.memref_squeeze %dma_wait3A_230 : memref<1x128x128xf32, #tpu.memory_space<vmem>> -> memref<128x128xf32, #tpu.memory_space<vmem>>
      %dma_wait3A_232 = arith.constant 0 : i32
      %dma_wait3A_233 = tpu.memref_slice %arg9[%add3A_52, %dma_wait3A_232] : memref<10240x128xf32, #tpu.memory_space<vmem_shared>> -> memref<128x128xf32, #tpu.memory_space<vmem_shared>>
      %dma_wait3A_234 = arith.constant 0 : i32
      %dma_wait3A_235 = arith.constant 0 : i32
      %dma_wait3A_236 = tpu.memref_slice %arg8[%run_scoped3A_53, %dma_wait3A_234, %dma_wait3A_235] : memref<2x128x128xf32, #tpu.memory_space<vmem>> -> memref<1x128x128xf32, #tpu.memory_space<vmem>>
      %dma_wait3A_237 = tpu.memref_squeeze %dma_wait3A_236 : memref<1x128x128xf32, #tpu.memory_space<vmem>> -> memref<128x128xf32, #tpu.memory_space<vmem>>
      %dma_wait3A_238 = arith.constant 0 : i32
      %dma_wait3A_239 = tpu.memref_slice %arg9[%add3A_52, %dma_wait3A_238] : memref<10240x128xf32, #tpu.memory_space<vmem_shared>> -> memref<128x128xf32, #tpu.memory_space<vmem_shared>>
      tpu.wait_dma2 semaphore(%run_scoped3A_215 : memref<!tpu.dma_semaphore, #tpu.memory_space<semaphore_mem>>) src(%dma_wait3A_239 : memref<128x128xf32, #tpu.memory_space<vmem_shared>>) dst(%dma_wait3A_237 : memref<128x128xf32, #tpu.memory_space<vmem>>)
      tpu.yield
    }) : () -> ()
    %dma_start3A_54 = arith.constant 0 : i32
    %dma_start3A_55 = arith.constant 0 : i32
    %dma_start3A_56 = arith.constant 0 : i32
    %dma_start3A_57 = tpu.memref_slice %arg8[%dma_start3A_54, %dma_start3A_55, %dma_start3A_56] : memref<2x128x128xf32, #tpu.memory_space<vmem>> -> memref<1x128x128xf32, #tpu.memory_space<vmem>>
    %dma_start3A_58 = tpu.memref_squeeze %dma_start3A_57 : memref<1x128x128xf32, #tpu.memory_space<vmem>> -> memref<128x128xf32, #tpu.memory_space<vmem>>
    %dma_start3A_59 = arith.constant 0 : i32
    %dma_start3A_60 = tpu.memref_slice %arg5[%arg0, %add3A_52, %dma_start3A_59] : memref<2x10240x128xf32, #tpu.memory_space<hbm>> -> memref<1x128x128xf32, #tpu.memory_space<hbm>>
    %dma_start3A_61 = tpu.memref_squeeze %dma_start3A_60 : memref<1x128x128xf32, #tpu.memory_space<hbm>> -> memref<128x128xf32, #tpu.memory_space<hbm>>
    %dma_start3A_62 = arith.constant 0 : i32
    %dma_start3A_63 = tpu.memref_slice %arg5[%arg0, %add3A_52, %dma_start3A_62] : memref<2x10240x128xf32, #tpu.memory_space<hbm>> -> memref<1x128x128xf32, #tpu.memory_space<hbm>>
    %dma_start3A_64 = tpu.memref_squeeze %dma_start3A_63 : memref<1x128x128xf32, #tpu.memory_space<hbm>> -> memref<128x128xf32, #tpu.memory_space<hbm>>
    %dma_start3A_65 = arith.constant 0 : i32
    %dma_start3A_66 = arith.constant 0 : i32
    %dma_start3A_67 = tpu.memref_slice %arg8[%dma_start3A_54, %dma_start3A_65, %dma_start3A_66] : memref<2x128x128xf32, #tpu.memory_space<vmem>> -> memref<1x128x128xf32, #tpu.memory_space<vmem>>
    %dma_start3A_68 = tpu.memref_squeeze %dma_start3A_67 : memref<1x128x128xf32, #tpu.memory_space<vmem>> -> memref<128x128xf32, #tpu.memory_space<vmem>>
    tpu.enqueue_dma source(%dma_start3A_68 : memref<128x128xf32, #tpu.memory_space<vmem>>) target(%dma_start3A_64 : memref<128x128xf32, #tpu.memory_space<hbm>>) target_semaphore(%arg12 : memref<!tpu.dma_semaphore, #tpu.memory_space<semaphore_mem>>)
    %add3A_69 = arith.constant 128 : i32
    %add3A_70 = arith.addi %mul3A_22, %add3A_69 : i32
    %run_scoped3A_71 = arith.constant 1 : i32
    "tpu.region"() ({
      %run_scoped3A_215 = tpu.sem_alloc : memref<!tpu.dma_semaphore, #tpu.memory_space<semaphore_mem>>
      %dma_start3A_216 = arith.constant 0 : i32
      %dma_start3A_217 = arith.constant 0 : i32
      %dma_start3A_218 = tpu.memref_slice %arg8[%run_scoped3A_71, %dma_start3A_216, %dma_start3A_217] : memref<2x128x128xf32, #tpu.memory_space<vmem>> -> memref<1x128x128xf32, #tpu.memory_space<vmem>>
      %dma_start3A_219 = tpu.memref_squeeze %dma_start3A_218 : memref<1x128x128xf32, #tpu.memory_space<vmem>> -> memref<128x128xf32, #tpu.memory_space<vmem>>
      %dma_start3A_220 = arith.constant 0 : i32
      %dma_start3A_221 = tpu.memref_slice %arg9[%add3A_70, %dma_start3A_220] : memref<10240x128xf32, #tpu.memory_space<vmem_shared>> -> memref<128x128xf32, #tpu.memory_space<vmem_shared>>
      %dma_start3A_222 = arith.constant 0 : i32
      %dma_start3A_223 = arith.constant 0 : i32
      %dma_start3A_224 = tpu.memref_slice %arg8[%run_scoped3A_71, %dma_start3A_222, %dma_start3A_223] : memref<2x128x128xf32, #tpu.memory_space<vmem>> -> memref<1x128x128xf32, #tpu.memory_space<vmem>>
      %dma_start3A_225 = tpu.memref_squeeze %dma_start3A_224 : memref<1x128x128xf32, #tpu.memory_space<vmem>> -> memref<128x128xf32, #tpu.memory_space<vmem>>
      %dma_start3A_226 = arith.constant 0 : i32
      %dma_start3A_227 = tpu.memref_slice %arg9[%add3A_70, %dma_start3A_226] : memref<10240x128xf32, #tpu.memory_space<vmem_shared>> -> memref<128x128xf32, #tpu.memory_space<vmem_shared>>
      tpu.enqueue_dma source(%dma_start3A_227 : memref<128x128xf32, #tpu.memory_space<vmem_shared>>) target(%dma_start3A_225 : memref<128x128xf32, #tpu.memory_space<vmem>>) target_semaphore(%run_scoped3A_215 : memref<!tpu.dma_semaphore, #tpu.memory_space<semaphore_mem>>)
      %dma_wait3A_228 = arith.constant 0 : i32
      %dma_wait3A_229 = arith.constant 0 : i32
      %dma_wait3A_230 = tpu.memref_slice %arg8[%run_scoped3A_71, %dma_wait3A_228, %dma_wait3A_229] : memref<2x128x128xf32, #tpu.memory_space<vmem>> -> memref<1x128x128xf32, #tpu.memory_space<vmem>>
      %dma_wait3A_231 = tpu.memref_squeeze %dma_wait3A_230 : memref<1x128x128xf32, #tpu.memory_space<vmem>> -> memref<128x128xf32, #tpu.memory_space<vmem>>
      %dma_wait3A_232 = arith.constant 0 : i32
      %dma_wait3A_233 = tpu.memref_slice %arg9[%add3A_70, %dma_wait3A_232] : memref<10240x128xf32, #tpu.memory_space<vmem_shared>> -> memref<128x128xf32, #tpu.memory_space<vmem_shared>>
      %dma_wait3A_234 = arith.constant 0 : i32
      %dma_wait3A_235 = arith.constant 0 : i32
      %dma_wait3A_236 = tpu.memref_slice %arg8[%run_scoped3A_71, %dma_wait3A_234, %dma_wait3A_235] : memref<2x128x128xf32, #tpu.memory_space<vmem>> -> memref<1x128x128xf32, #tpu.memory_space<vmem>>
      %dma_wait3A_237 = tpu.memref_squeeze %dma_wait3A_236 : memref<1x128x128xf32, #tpu.memory_space<vmem>> -> memref<128x128xf32, #tpu.memory_space<vmem>>
      %dma_wait3A_238 = arith.constant 0 : i32
      %dma_wait3A_239 = tpu.memref_slice %arg9[%add3A_70, %dma_wait3A_238] : memref<10240x128xf32, #tpu.memory_space<vmem_shared>> -> memref<128x128xf32, #tpu.memory_space<vmem_shared>>
      tpu.wait_dma2 semaphore(%run_scoped3A_215 : memref<!tpu.dma_semaphore, #tpu.memory_space<semaphore_mem>>) src(%dma_wait3A_239 : memref<128x128xf32, #tpu.memory_space<vmem_shared>>) dst(%dma_wait3A_237 : memref<128x128xf32, #tpu.memory_space<vmem>>)
      tpu.yield
    }) : () -> ()
    %dma_start3A_72 = arith.constant 1 : i32
    %dma_start3A_73 = arith.constant 0 : i32
    %dma_start3A_74 = arith.constant 0 : i32
    %dma_start3A_75 = tpu.memref_slice %arg8[%dma_start3A_72, %dma_start3A_73, %dma_start3A_74] : memref<2x128x128xf32, #tpu.memory_space<vmem>> -> memref<1x128x128xf32, #tpu.memory_space<vmem>>
    %dma_start3A_76 = tpu.memref_squeeze %dma_start3A_75 : memref<1x128x128xf32, #tpu.memory_space<vmem>> -> memref<128x128xf32, #tpu.memory_space<vmem>>
    %dma_start3A_77 = arith.constant 0 : i32
    %dma_start3A_78 = tpu.memref_slice %arg5[%arg0, %add3A_70, %dma_start3A_77] : memref<2x10240x128xf32, #tpu.memory_space<hbm>> -> memref<1x128x128xf32, #tpu.memory_space<hbm>>
    %dma_start3A_79 = tpu.memref_squeeze %dma_start3A_78 : memref<1x128x128xf32, #tpu.memory_space<hbm>> -> memref<128x128xf32, #tpu.memory_space<hbm>>
    %dma_start3A_80 = arith.constant 0 : i32
    %dma_start3A_81 = tpu.memref_slice %arg5[%arg0, %add3A_70, %dma_start3A_80] : memref<2x10240x128xf32, #tpu.memory_space<hbm>> -> memref<1x128x128xf32, #tpu.memory_space<hbm>>
    %dma_start3A_82 = tpu.memref_squeeze %dma_start3A_81 : memref<1x128x128xf32, #tpu.memory_space<hbm>> -> memref<128x128xf32, #tpu.memory_space<hbm>>
    %dma_start3A_83 = arith.constant 0 : i32
    %dma_start3A_84 = arith.constant 0 : i32
    %dma_start3A_85 = tpu.memref_slice %arg8[%dma_start3A_72, %dma_start3A_83, %dma_start3A_84] : memref<2x128x128xf32, #tpu.memory_space<vmem>> -> memref<1x128x128xf32, #tpu.memory_space<vmem>>
    %dma_start3A_86 = tpu.memref_squeeze %dma_start3A_85 : memref<1x128x128xf32, #tpu.memory_space<vmem>> -> memref<128x128xf32, #tpu.memory_space<vmem>>
    tpu.enqueue_dma source(%dma_start3A_86 : memref<128x128xf32, #tpu.memory_space<vmem>>) target(%dma_start3A_82 : memref<128x128xf32, #tpu.memory_space<hbm>>) target_semaphore(%arg13 : memref<!tpu.dma_semaphore, #tpu.memory_space<semaphore_mem>>)
    %add3A_87 = arith.constant 256 : i32
    %add3A_88 = arith.addi %mul3A_22, %add3A_87 : i32
    %dma_wait3A = arith.constant 0 : i32
    %dma_wait3A_89 = arith.constant 0 : i32
    %dma_wait3A_90 = arith.constant 0 : i32
    %dma_wait3A_91 = tpu.memref_slice %arg8[%dma_wait3A, %dma_wait3A_89, %dma_wait3A_90] : memref<2x128x128xf32, #tpu.memory_space<vmem>> -> memref<1x128x128xf32, #tpu.memory_space<vmem>>
    %dma_wait3A_92 = tpu.memref_squeeze %dma_wait3A_91 : memref<1x128x128xf32, #tpu.memory_space<vmem>> -> memref<128x128xf32, #tpu.memory_space<vmem>>
    %dma_wait3A_93 = arith.constant 0 : i32
    %dma_wait3A_94 = tpu.memref_slice %arg5[%arg0, %mul3A_22, %dma_wait3A_93] : memref<2x10240x128xf32, #tpu.memory_space<hbm>> -> memref<1x128x128xf32, #tpu.memory_space<hbm>>
    %dma_wait3A_95 = tpu.memref_squeeze %dma_wait3A_94 : memref<1x128x128xf32, #tpu.memory_space<hbm>> -> memref<128x128xf32, #tpu.memory_space<hbm>>
    %dma_wait3A_96 = arith.constant 0 : i32
    %dma_wait3A_97 = tpu.memref_slice %arg5[%arg0, %mul3A_22, %dma_wait3A_96] : memref<2x10240x128xf32, #tpu.memory_space<hbm>> -> memref<1x128x128xf32, #tpu.memory_space<hbm>>
    %dma_wait3A_98 = tpu.memref_squeeze %dma_wait3A_97 : memref<1x128x128xf32, #tpu.memory_space<hbm>> -> memref<128x128xf32, #tpu.memory_space<hbm>>
    %dma_wait3A_99 = arith.constant 0 : i32
    %dma_wait3A_100 = arith.constant 0 : i32
    %dma_wait3A_101 = tpu.memref_slice %arg8[%dma_wait3A, %dma_wait3A_99, %dma_wait3A_100] : memref<2x128x128xf32, #tpu.memory_space<vmem>> -> memref<1x128x128xf32, #tpu.memory_space<vmem>>
    %dma_wait3A_102 = tpu.memref_squeeze %dma_wait3A_101 : memref<1x128x128xf32, #tpu.memory_space<vmem>> -> memref<128x128xf32, #tpu.memory_space<vmem>>
    tpu.wait_dma2 semaphore(%arg12 : memref<!tpu.dma_semaphore, #tpu.memory_space<semaphore_mem>>) src(%dma_wait3A_102 : memref<128x128xf32, #tpu.memory_space<vmem>>) dst(%dma_wait3A_98 : memref<128x128xf32, #tpu.memory_space<hbm>>)
    %run_scoped3A_103 = arith.constant 0 : i32
    "tpu.region"() ({
      %run_scoped3A_215 = tpu.sem_alloc : memref<!tpu.dma_semaphore, #tpu.memory_space<semaphore_mem>>
      %dma_start3A_216 = arith.constant 0 : i32
      %dma_start3A_217 = arith.constant 0 : i32
      %dma_start3A_218 = tpu.memref_slice %arg8[%run_scoped3A_103, %dma_start3A_216, %dma_start3A_217] : memref<2x128x128xf32, #tpu.memory_space<vmem>> -> memref<1x128x128xf32, #tpu.memory_space<vmem>>
      %dma_start3A_219 = tpu.memref_squeeze %dma_start3A_218 : memref<1x128x128xf32, #tpu.memory_space<vmem>> -> memref<128x128xf32, #tpu.memory_space<vmem>>
      %dma_start3A_220 = arith.constant 0 : i32
      %dma_start3A_221 = tpu.memref_slice %arg9[%add3A_88, %dma_start3A_220] : memref<10240x128xf32, #tpu.memory_space<vmem_shared>> -> memref<128x128xf32, #tpu.memory_space<vmem_shared>>
      %dma_start3A_222 = arith.constant 0 : i32
      %dma_start3A_223 = arith.constant 0 : i32
      %dma_start3A_224 = tpu.memref_slice %arg8[%run_scoped3A_103, %dma_start3A_222, %dma_start3A_223] : memref<2x128x128xf32, #tpu.memory_space<vmem>> -> memref<1x128x128xf32, #tpu.memory_space<vmem>>
      %dma_start3A_225 = tpu.memref_squeeze %dma_start3A_224 : memref<1x128x128xf32, #tpu.memory_space<vmem>> -> memref<128x128xf32, #tpu.memory_space<vmem>>
      %dma_start3A_226 = arith.constant 0 : i32
      %dma_start3A_227 = tpu.memref_slice %arg9[%add3A_88, %dma_start3A_226] : memref<10240x128xf32, #tpu.memory_space<vmem_shared>> -> memref<128x128xf32, #tpu.memory_space<vmem_shared>>
      tpu.enqueue_dma source(%dma_start3A_227 : memref<128x128xf32, #tpu.memory_space<vmem_shared>>) target(%dma_start3A_225 : memref<128x128xf32, #tpu.memory_space<vmem>>) target_semaphore(%run_scoped3A_215 : memref<!tpu.dma_semaphore, #tpu.memory_space<semaphore_mem>>)
      %dma_wait3A_228 = arith.constant 0 : i32
      %dma_wait3A_229 = arith.constant 0 : i32
      %dma_wait3A_230 = tpu.memref_slice %arg8[%run_scoped3A_103, %dma_wait3A_228, %dma_wait3A_229] : memref<2x128x128xf32, #tpu.memory_space<vmem>> -> memref<1x128x128xf32, #tpu.memory_space<vmem>>
      %dma_wait3A_231 = tpu.memref_squeeze %dma_wait3A_230 : memref<1x128x128xf32, #tpu.memory_space<vmem>> -> memref<128x128xf32, #tpu.memory_space<vmem>>
      %dma_wait3A_232 = arith.constant 0 : i32
      %dma_wait3A_233 = tpu.memref_slice %arg9[%add3A_88, %dma_wait3A_232] : memref<10240x128xf32, #tpu.memory_space<vmem_shared>> -> memref<128x128xf32, #tpu.memory_space<vmem_shared>>
      %dma_wait3A_234 = arith.constant 0 : i32
      %dma_wait3A_235 = arith.constant 0 : i32
      %dma_wait3A_236 = tpu.memref_slice %arg8[%run_scoped3A_103, %dma_wait3A_234, %dma_wait3A_235] : memref<2x128x128xf32, #tpu.memory_space<vmem>> -> memref<1x128x128xf32, #tpu.memory_space<vmem>>
      %dma_wait3A_237 = tpu.memref_squeeze %dma_wait3A_236 : memref<1x128x128xf32, #tpu.memory_space<vmem>> -> memref<128x128xf32, #tpu.memory_space<vmem>>
      %dma_wait3A_238 = arith.constant 0 : i32
      %dma_wait3A_239 = tpu.memref_slice %arg9[%add3A_88, %dma_wait3A_238] : memref<10240x128xf32, #tpu.memory_space<vmem_shared>> -> memref<128x128xf32, #tpu.memory_space<vmem_shared>>
      tpu.wait_dma2 semaphore(%run_scoped3A_215 : memref<!tpu.dma_semaphore, #tpu.memory_space<semaphore_mem>>) src(%dma_wait3A_239 : memref<128x128xf32, #tpu.memory_space<vmem_shared>>) dst(%dma_wait3A_237 : memref<128x128xf32, #tpu.memory_space<vmem>>)
      tpu.yield
    }) : () -> ()
    %dma_start3A_104 = arith.constant 0 : i32
    %dma_start3A_105 = arith.constant 0 : i32
    %dma_start3A_106 = arith.constant 0 : i32
    %dma_start3A_107 = tpu.memref_slice %arg8[%dma_start3A_104, %dma_start3A_105, %dma_start3A_106] : memref<2x128x128xf32, #tpu.memory_space<vmem>> -> memref<1x128x128xf32, #tpu.memory_space<vmem>>
    %dma_start3A_108 = tpu.memref_squeeze %dma_start3A_107 : memref<1x128x128xf32, #tpu.memory_space<vmem>> -> memref<128x128xf32, #tpu.memory_space<vmem>>
    %dma_start3A_109 = arith.constant 0 : i32
    %dma_start3A_110 = tpu.memref_slice %arg5[%arg0, %add3A_88, %dma_start3A_109] : memref<2x10240x128xf32, #tpu.memory_space<hbm>> -> memref<1x128x128xf32, #tpu.memory_space<hbm>>
    %dma_start3A_111 = tpu.memref_squeeze %dma_start3A_110 : memref<1x128x128xf32, #tpu.memory_space<hbm>> -> memref<128x128xf32, #tpu.memory_space<hbm>>
    %dma_start3A_112 = arith.constant 0 : i32
    %dma_start3A_113 = tpu.memref_slice %arg5[%arg0, %add3A_88, %dma_start3A_112] : memref<2x10240x128xf32, #tpu.memory_space<hbm>> -> memref<1x128x128xf32, #tpu.memory_space<hbm>>
    %dma_start3A_114 = tpu.memref_squeeze %dma_start3A_113 : memref<1x128x128xf32, #tpu.memory_space<hbm>> -> memref<128x128xf32, #tpu.memory_space<hbm>>
    %dma_start3A_115 = arith.constant 0 : i32
    %dma_start3A_116 = arith.constant 0 : i32
    %dma_start3A_117 = tpu.memref_slice %arg8[%dma_start3A_104, %dma_start3A_115, %dma_start3A_116] : memref<2x128x128xf32, #tpu.memory_space<vmem>> -> memref<1x128x128xf32, #tpu.memory_space<vmem>>
    %dma_start3A_118 = tpu.memref_squeeze %dma_start3A_117 : memref<1x128x128xf32, #tpu.memory_space<vmem>> -> memref<128x128xf32, #tpu.memory_space<vmem>>
    tpu.enqueue_dma source(%dma_start3A_118 : memref<128x128xf32, #tpu.memory_space<vmem>>) target(%dma_start3A_114 : memref<128x128xf32, #tpu.memory_space<hbm>>) target_semaphore(%arg12 : memref<!tpu.dma_semaphore, #tpu.memory_space<semaphore_mem>>)
    %add3A_119 = arith.constant 384 : i32
    %add3A_120 = arith.addi %mul3A_22, %add3A_119 : i32
    %dma_wait3A_121 = arith.constant 1 : i32
    %dma_wait3A_122 = arith.constant 0 : i32
    %dma_wait3A_123 = arith.constant 0 : i32
    %dma_wait3A_124 = tpu.memref_slice %arg8[%dma_wait3A_121, %dma_wait3A_122, %dma_wait3A_123] : memref<2x128x128xf32, #tpu.memory_space<vmem>> -> memref<1x128x128xf32, #tpu.memory_space<vmem>>
    %dma_wait3A_125 = tpu.memref_squeeze %dma_wait3A_124 : memref<1x128x128xf32, #tpu.memory_space<vmem>> -> memref<128x128xf32, #tpu.memory_space<vmem>>
    %dma_wait3A_126 = arith.constant 0 : i32
    %dma_wait3A_127 = tpu.memref_slice %arg5[%arg0, %mul3A_22, %dma_wait3A_126] : memref<2x10240x128xf32, #tpu.memory_space<hbm>> -> memref<1x128x128xf32, #tpu.memory_space<hbm>>
    %dma_wait3A_128 = tpu.memref_squeeze %dma_wait3A_127 : memref<1x128x128xf32, #tpu.memory_space<hbm>> -> memref<128x128xf32, #tpu.memory_space<hbm>>
    %dma_wait3A_129 = arith.constant 0 : i32
    %dma_wait3A_130 = tpu.memref_slice %arg5[%arg0, %mul3A_22, %dma_wait3A_129] : memref<2x10240x128xf32, #tpu.memory_space<hbm>> -> memref<1x128x128xf32, #tpu.memory_space<hbm>>
    %dma_wait3A_131 = tpu.memref_squeeze %dma_wait3A_130 : memref<1x128x128xf32, #tpu.memory_space<hbm>> -> memref<128x128xf32, #tpu.memory_space<hbm>>
    %dma_wait3A_132 = arith.constant 0 : i32
    %dma_wait3A_133 = arith.constant 0 : i32
    %dma_wait3A_134 = tpu.memref_slice %arg8[%dma_wait3A_121, %dma_wait3A_132, %dma_wait3A_133] : memref<2x128x128xf32, #tpu.memory_space<vmem>> -> memref<1x128x128xf32, #tpu.memory_space<vmem>>
    %dma_wait3A_135 = tpu.memref_squeeze %dma_wait3A_134 : memref<1x128x128xf32, #tpu.memory_space<vmem>> -> memref<128x128xf32, #tpu.memory_space<vmem>>
    tpu.wait_dma2 semaphore(%arg13 : memref<!tpu.dma_semaphore, #tpu.memory_space<semaphore_mem>>) src(%dma_wait3A_135 : memref<128x128xf32, #tpu.memory_space<vmem>>) dst(%dma_wait3A_131 : memref<128x128xf32, #tpu.memory_space<hbm>>)
    %run_scoped3A_136 = arith.constant 1 : i32
    "tpu.region"() ({
      %run_scoped3A_215 = tpu.sem_alloc : memref<!tpu.dma_semaphore, #tpu.memory_space<semaphore_mem>>
      %dma_start3A_216 = arith.constant 0 : i32
      %dma_start3A_217 = arith.constant 0 : i32
      %dma_start3A_218 = tpu.memref_slice %arg8[%run_scoped3A_136, %dma_start3A_216, %dma_start3A_217] : memref<2x128x128xf32, #tpu.memory_space<vmem>> -> memref<1x128x128xf32, #tpu.memory_space<vmem>>
      %dma_start3A_219 = tpu.memref_squeeze %dma_start3A_218 : memref<1x128x128xf32, #tpu.memory_space<vmem>> -> memref<128x128xf32, #tpu.memory_space<vmem>>
      %dma_start3A_220 = arith.constant 0 : i32
      %dma_start3A_221 = tpu.memref_slice %arg9[%add3A_120, %dma_start3A_220] : memref<10240x128xf32, #tpu.memory_space<vmem_shared>> -> memref<128x128xf32, #tpu.memory_space<vmem_shared>>
      %dma_start3A_222 = arith.constant 0 : i32
      %dma_start3A_223 = arith.constant 0 : i32
      %dma_start3A_224 = tpu.memref_slice %arg8[%run_scoped3A_136, %dma_start3A_222, %dma_start3A_223] : memref<2x128x128xf32, #tpu.memory_space<vmem>> -> memref<1x128x128xf32, #tpu.memory_space<vmem>>
      %dma_start3A_225 = tpu.memref_squeeze %dma_start3A_224 : memref<1x128x128xf32, #tpu.memory_space<vmem>> -> memref<128x128xf32, #tpu.memory_space<vmem>>
      %dma_start3A_226 = arith.constant 0 : i32
      %dma_start3A_227 = tpu.memref_slice %arg9[%add3A_120, %dma_start3A_226] : memref<10240x128xf32, #tpu.memory_space<vmem_shared>> -> memref<128x128xf32, #tpu.memory_space<vmem_shared>>
      tpu.enqueue_dma source(%dma_start3A_227 : memref<128x128xf32, #tpu.memory_space<vmem_shared>>) target(%dma_start3A_225 : memref<128x128xf32, #tpu.memory_space<vmem>>) target_semaphore(%run_scoped3A_215 : memref<!tpu.dma_semaphore, #tpu.memory_space<semaphore_mem>>)
      %dma_wait3A_228 = arith.constant 0 : i32
      %dma_wait3A_229 = arith.constant 0 : i32
      %dma_wait3A_230 = tpu.memref_slice %arg8[%run_scoped3A_136, %dma_wait3A_228, %dma_wait3A_229] : memref<2x128x128xf32, #tpu.memory_space<vmem>> -> memref<1x128x128xf32, #tpu.memory_space<vmem>>
      %dma_wait3A_231 = tpu.memref_squeeze %dma_wait3A_230 : memref<1x128x128xf32, #tpu.memory_space<vmem>> -> memref<128x128xf32, #tpu.memory_space<vmem>>
      %dma_wait3A_232 = arith.constant 0 : i32
      %dma_wait3A_233 = tpu.memref_slice %arg9[%add3A_120, %dma_wait3A_232] : memref<10240x128xf32, #tpu.memory_space<vmem_shared>> -> memref<128x128xf32, #tpu.memory_space<vmem_shared>>
      %dma_wait3A_234 = arith.constant 0 : i32
      %dma_wait3A_235 = arith.constant 0 : i32
      %dma_wait3A_236 = tpu.memref_slice %arg8[%run_scoped3A_136, %dma_wait3A_234, %dma_wait3A_235] : memref<2x128x128xf32, #tpu.memory_space<vmem>> -> memref<1x128x128xf32, #tpu.memory_space<vmem>>
      %dma_wait3A_237 = tpu.memref_squeeze %dma_wait3A_236 : memref<1x128x128xf32, #tpu.memory_space<vmem>> -> memref<128x128xf32, #tpu.memory_space<vmem>>
      %dma_wait3A_238 = arith.constant 0 : i32
      %dma_wait3A_239 = tpu.memref_slice %arg9[%add3A_120, %dma_wait3A_238] : memref<10240x128xf32, #tpu.memory_space<vmem_shared>> -> memref<128x128xf32, #tpu.memory_space<vmem_shared>>
      tpu.wait_dma2 semaphore(%run_scoped3A_215 : memref<!tpu.dma_semaphore, #tpu.memory_space<semaphore_mem>>) src(%dma_wait3A_239 : memref<128x128xf32, #tpu.memory_space<vmem_shared>>) dst(%dma_wait3A_237 : memref<128x128xf32, #tpu.memory_space<vmem>>)
      tpu.yield
    }) : () -> ()
    %dma_start3A_137 = arith.constant 1 : i32
    %dma_start3A_138 = arith.constant 0 : i32
    %dma_start3A_139 = arith.constant 0 : i32
    %dma_start3A_140 = tpu.memref_slice %arg8[%dma_start3A_137, %dma_start3A_138, %dma_start3A_139] : memref<2x128x128xf32, #tpu.memory_space<vmem>> -> memref<1x128x128xf32, #tpu.memory_space<vmem>>
    %dma_start3A_141 = tpu.memref_squeeze %dma_start3A_140 : memref<1x128x128xf32, #tpu.memory_space<vmem>> -> memref<128x128xf32, #tpu.memory_space<vmem>>
    %dma_start3A_142 = arith.constant 0 : i32
    %dma_start3A_143 = tpu.memref_slice %arg5[%arg0, %add3A_120, %dma_start3A_142] : memref<2x10240x128xf32, #tpu.memory_space<hbm>> -> memref<1x128x128xf32, #tpu.memory_space<hbm>>
    %dma_start3A_144 = tpu.memref_squeeze %dma_start3A_143 : memref<1x128x128xf32, #tpu.memory_space<hbm>> -> memref<128x128xf32, #tpu.memory_space<hbm>>
    %dma_start3A_145 = arith.constant 0 : i32
    %dma_start3A_146 = tpu.memref_slice %arg5[%arg0, %add3A_120, %dma_start3A_145] : memref<2x10240x128xf32, #tpu.memory_space<hbm>> -> memref<1x128x128xf32, #tpu.memory_space<hbm>>
    %dma_start3A_147 = tpu.memref_squeeze %dma_start3A_146 : memref<1x128x128xf32, #tpu.memory_space<hbm>> -> memref<128x128xf32, #tpu.memory_space<hbm>>
    %dma_start3A_148 = arith.constant 0 : i32
    %dma_start3A_149 = arith.constant 0 : i32
    %dma_start3A_150 = tpu.memref_slice %arg8[%dma_start3A_137, %dma_start3A_148, %dma_start3A_149] : memref<2x128x128xf32, #tpu.memory_space<vmem>> -> memref<1x128x128xf32, #tpu.memory_space<vmem>>
    %dma_start3A_151 = tpu.memref_squeeze %dma_start3A_150 : memref<1x128x128xf32, #tpu.memory_space<vmem>> -> memref<128x128xf32, #tpu.memory_space<vmem>>
    tpu.enqueue_dma source(%dma_start3A_151 : memref<128x128xf32, #tpu.memory_space<vmem>>) target(%dma_start3A_147 : memref<128x128xf32, #tpu.memory_space<hbm>>) target_semaphore(%arg13 : memref<!tpu.dma_semaphore, #tpu.memory_space<semaphore_mem>>)
    %add3A_152 = arith.constant 512 : i32
    %add3A_153 = arith.addi %mul3A_22, %add3A_152 : i32
    %dma_wait3A_154 = arith.constant 0 : i32
    %dma_wait3A_155 = arith.constant 0 : i32
    %dma_wait3A_156 = arith.constant 0 : i32
    %dma_wait3A_157 = tpu.memref_slice %arg8[%dma_wait3A_154, %dma_wait3A_155, %dma_wait3A_156] : memref<2x128x128xf32, #tpu.memory_space<vmem>> -> memref<1x128x128xf32, #tpu.memory_space<vmem>>
    %dma_wait3A_158 = tpu.memref_squeeze %dma_wait3A_157 : memref<1x128x128xf32, #tpu.memory_space<vmem>> -> memref<128x128xf32, #tpu.memory_space<vmem>>
    %dma_wait3A_159 = arith.constant 0 : i32
    %dma_wait3A_160 = tpu.memref_slice %arg5[%arg0, %mul3A_22, %dma_wait3A_159] : memref<2x10240x128xf32, #tpu.memory_space<hbm>> -> memref<1x128x128xf32, #tpu.memory_space<hbm>>
    %dma_wait3A_161 = tpu.memref_squeeze %dma_wait3A_160 : memref<1x128x128xf32, #tpu.memory_space<hbm>> -> memref<128x128xf32, #tpu.memory_space<hbm>>
    %dma_wait3A_162 = arith.constant 0 : i32
    %dma_wait3A_163 = tpu.memref_slice %arg5[%arg0, %mul3A_22, %dma_wait3A_162] : memref<2x10240x128xf32, #tpu.memory_space<hbm>> -> memref<1x128x128xf32, #tpu.memory_space<hbm>>
    %dma_wait3A_164 = tpu.memref_squeeze %dma_wait3A_163 : memref<1x128x128xf32, #tpu.memory_space<hbm>> -> memref<128x128xf32, #tpu.memory_space<hbm>>
    %dma_wait3A_165 = arith.constant 0 : i32
    %dma_wait3A_166 = arith.constant 0 : i32
    %dma_wait3A_167 = tpu.memref_slice %arg8[%dma_wait3A_154, %dma_wait3A_165, %dma_wait3A_166] : memref<2x128x128xf32, #tpu.memory_space<vmem>> -> memref<1x128x128xf32, #tpu.memory_space<vmem>>
    %dma_wait3A_168 = tpu.memref_squeeze %dma_wait3A_167 : memref<1x128x128xf32, #tpu.memory_space<vmem>> -> memref<128x128xf32, #tpu.memory_space<vmem>>
    tpu.wait_dma2 semaphore(%arg12 : memref<!tpu.dma_semaphore, #tpu.memory_space<semaphore_mem>>) src(%dma_wait3A_168 : memref<128x128xf32, #tpu.memory_space<vmem>>) dst(%dma_wait3A_164 : memref<128x128xf32, #tpu.memory_space<hbm>>)
    %run_scoped3A_169 = arith.constant 0 : i32
    "tpu.region"() ({
      %run_scoped3A_215 = tpu.sem_alloc : memref<!tpu.dma_semaphore, #tpu.memory_space<semaphore_mem>>
      %dma_start3A_216 = arith.constant 0 : i32
      %dma_start3A_217 = arith.constant 0 : i32
      %dma_start3A_218 = tpu.memref_slice %arg8[%run_scoped3A_169, %dma_start3A_216, %dma_start3A_217] : memref<2x128x128xf32, #tpu.memory_space<vmem>> -> memref<1x128x128xf32, #tpu.memory_space<vmem>>
      %dma_start3A_219 = tpu.memref_squeeze %dma_start3A_218 : memref<1x128x128xf32, #tpu.memory_space<vmem>> -> memref<128x128xf32, #tpu.memory_space<vmem>>
      %dma_start3A_220 = arith.constant 0 : i32
      %dma_start3A_221 = tpu.memref_slice %arg9[%add3A_153, %dma_start3A_220] : memref<10240x128xf32, #tpu.memory_space<vmem_shared>> -> memref<128x128xf32, #tpu.memory_space<vmem_shared>>
      %dma_start3A_222 = arith.constant 0 : i32
      %dma_start3A_223 = arith.constant 0 : i32
      %dma_start3A_224 = tpu.memref_slice %arg8[%run_scoped3A_169, %dma_start3A_222, %dma_start3A_223] : memref<2x128x128xf32, #tpu.memory_space<vmem>> -> memref<1x128x128xf32, #tpu.memory_space<vmem>>
      %dma_start3A_225 = tpu.memref_squeeze %dma_start3A_224 : memref<1x128x128xf32, #tpu.memory_space<vmem>> -> memref<128x128xf32, #tpu.memory_space<vmem>>
      %dma_start3A_226 = arith.constant 0 : i32
      %dma_start3A_227 = tpu.memref_slice %arg9[%add3A_153, %dma_start3A_226] : memref<10240x128xf32, #tpu.memory_space<vmem_shared>> -> memref<128x128xf32, #tpu.memory_space<vmem_shared>>
      tpu.enqueue_dma source(%dma_start3A_227 : memref<128x128xf32, #tpu.memory_space<vmem_shared>>) target(%dma_start3A_225 : memref<128x128xf32, #tpu.memory_space<vmem>>) target_semaphore(%run_scoped3A_215 : memref<!tpu.dma_semaphore, #tpu.memory_space<semaphore_mem>>)
      %dma_wait3A_228 = arith.constant 0 : i32
      %dma_wait3A_229 = arith.constant 0 : i32
      %dma_wait3A_230 = tpu.memref_slice %arg8[%run_scoped3A_169, %dma_wait3A_228, %dma_wait3A_229] : memref<2x128x128xf32, #tpu.memory_space<vmem>> -> memref<1x128x128xf32, #tpu.memory_space<vmem>>
      %dma_wait3A_231 = tpu.memref_squeeze %dma_wait3A_230 : memref<1x128x128xf32, #tpu.memory_space<vmem>> -> memref<128x128xf32, #tpu.memory_space<vmem>>
      %dma_wait3A_232 = arith.constant 0 : i32
      %dma_wait3A_233 = tpu.memref_slice %arg9[%add3A_153, %dma_wait3A_232] : memref<10240x128xf32, #tpu.memory_space<vmem_shared>> -> memref<128x128xf32, #tpu.memory_space<vmem_shared>>
      %dma_wait3A_234 = arith.constant 0 : i32
      %dma_wait3A_235 = arith.constant 0 : i32
      %dma_wait3A_236 = tpu.memref_slice %arg8[%run_scoped3A_169, %dma_wait3A_234, %dma_wait3A_235] : memref<2x128x128xf32, #tpu.memory_space<vmem>> -> memref<1x128x128xf32, #tpu.memory_space<vmem>>
      %dma_wait3A_237 = tpu.memref_squeeze %dma_wait3A_236 : memref<1x128x128xf32, #tpu.memory_space<vmem>> -> memref<128x128xf32, #tpu.memory_space<vmem>>
      %dma_wait3A_238 = arith.constant 0 : i32
      %dma_wait3A_239 = tpu.memref_slice %arg9[%add3A_153, %dma_wait3A_238] : memref<10240x128xf32, #tpu.memory_space<vmem_shared>> -> memref<128x128xf32, #tpu.memory_space<vmem_shared>>
      tpu.wait_dma2 semaphore(%run_scoped3A_215 : memref<!tpu.dma_semaphore, #tpu.memory_space<semaphore_mem>>) src(%dma_wait3A_239 : memref<128x128xf32, #tpu.memory_space<vmem_shared>>) dst(%dma_wait3A_237 : memref<128x128xf32, #tpu.memory_space<vmem>>)
      tpu.yield
    }) : () -> ()
    %dma_start3A_170 = arith.constant 0 : i32
    %dma_start3A_171 = arith.constant 0 : i32
    %dma_start3A_172 = arith.constant 0 : i32
    %dma_start3A_173 = tpu.memref_slice %arg8[%dma_start3A_170, %dma_start3A_171, %dma_start3A_172] : memref<2x128x128xf32, #tpu.memory_space<vmem>> -> memref<1x128x128xf32, #tpu.memory_space<vmem>>
    %dma_start3A_174 = tpu.memref_squeeze %dma_start3A_173 : memref<1x128x128xf32, #tpu.memory_space<vmem>> -> memref<128x128xf32, #tpu.memory_space<vmem>>
    %dma_start3A_175 = arith.constant 0 : i32
    %dma_start3A_176 = tpu.memref_slice %arg5[%arg0, %add3A_153, %dma_start3A_175] : memref<2x10240x128xf32, #tpu.memory_space<hbm>> -> memref<1x128x128xf32, #tpu.memory_space<hbm>>
    %dma_start3A_177 = tpu.memref_squeeze %dma_start3A_176 : memref<1x128x128xf32, #tpu.memory_space<hbm>> -> memref<128x128xf32, #tpu.memory_space<hbm>>
    %dma_start3A_178 = arith.constant 0 : i32
    %dma_start3A_179 = tpu.memref_slice %arg5[%arg0, %add3A_153, %dma_start3A_178] : memref<2x10240x128xf32, #tpu.memory_space<hbm>> -> memref<1x128x128xf32, #tpu.memory_space<hbm>>
    %dma_start3A_180 = tpu.memref_squeeze %dma_start3A_179 : memref<1x128x128xf32, #tpu.memory_space<hbm>> -> memref<128x128xf32, #tpu.memory_space<hbm>>
    %dma_start3A_181 = arith.constant 0 : i32
    %dma_start3A_182 = arith.constant 0 : i32
    %dma_start3A_183 = tpu.memref_slice %arg8[%dma_start3A_170, %dma_start3A_181, %dma_start3A_182] : memref<2x128x128xf32, #tpu.memory_space<vmem>> -> memref<1x128x128xf32, #tpu.memory_space<vmem>>
    %dma_start3A_184 = tpu.memref_squeeze %dma_start3A_183 : memref<1x128x128xf32, #tpu.memory_space<vmem>> -> memref<128x128xf32, #tpu.memory_space<vmem>>
    tpu.enqueue_dma source(%dma_start3A_184 : memref<128x128xf32, #tpu.memory_space<vmem>>) target(%dma_start3A_180 : memref<128x128xf32, #tpu.memory_space<hbm>>) target_semaphore(%arg12 : memref<!tpu.dma_semaphore, #tpu.memory_space<semaphore_mem>>)
    %dma_wait3A_185 = arith.constant 0 : i32
    %dma_wait3A_186 = arith.constant 0 : i32
    %dma_wait3A_187 = arith.constant 0 : i32
    %dma_wait3A_188 = tpu.memref_slice %arg8[%dma_wait3A_185, %dma_wait3A_186, %dma_wait3A_187] : memref<2x128x128xf32, #tpu.memory_space<vmem>> -> memref<1x128x128xf32, #tpu.memory_space<vmem>>
    %dma_wait3A_189 = tpu.memref_squeeze %dma_wait3A_188 : memref<1x128x128xf32, #tpu.memory_space<vmem>> -> memref<128x128xf32, #tpu.memory_space<vmem>>
    %dma_wait3A_190 = arith.constant 0 : i32
    %dma_wait3A_191 = tpu.memref_slice %arg5[%arg0, %mul3A_22, %dma_wait3A_190] : memref<2x10240x128xf32, #tpu.memory_space<hbm>> -> memref<1x128x128xf32, #tpu.memory_space<hbm>>
    %dma_wait3A_192 = tpu.memref_squeeze %dma_wait3A_191 : memref<1x128x128xf32, #tpu.memory_space<hbm>> -> memref<128x128xf32, #tpu.memory_space<hbm>>
    %dma_wait3A_193 = arith.constant 0 : i32
    %dma_wait3A_194 = tpu.memref_slice %arg5[%arg0, %mul3A_22, %dma_wait3A_193] : memref<2x10240x128xf32, #tpu.memory_space<hbm>> -> memref<1x128x128xf32, #tpu.memory_space<hbm>>
    %dma_wait3A_195 = tpu.memref_squeeze %dma_wait3A_194 : memref<1x128x128xf32, #tpu.memory_space<hbm>> -> memref<128x128xf32, #tpu.memory_space<hbm>>
    %dma_wait3A_196 = arith.constant 0 : i32
    %dma_wait3A_197 = arith.constant 0 : i32
    %dma_wait3A_198 = tpu.memref_slice %arg8[%dma_wait3A_185, %dma_wait3A_196, %dma_wait3A_197] : memref<2x128x128xf32, #tpu.memory_space<vmem>> -> memref<1x128x128xf32, #tpu.memory_space<vmem>>
    %dma_wait3A_199 = tpu.memref_squeeze %dma_wait3A_198 : memref<1x128x128xf32, #tpu.memory_space<vmem>> -> memref<128x128xf32, #tpu.memory_space<vmem>>
    tpu.wait_dma2 semaphore(%arg12 : memref<!tpu.dma_semaphore, #tpu.memory_space<semaphore_mem>>) src(%dma_wait3A_199 : memref<128x128xf32, #tpu.memory_space<vmem>>) dst(%dma_wait3A_195 : memref<128x128xf32, #tpu.memory_space<hbm>>)
    %dma_wait3A_200 = arith.constant 1 : i32
    %dma_wait3A_201 = arith.constant 0 : i32
    %dma_wait3A_202 = arith.constant 0 : i32
    %dma_wait3A_203 = tpu.memref_slice %arg8[%dma_wait3A_200, %dma_wait3A_201, %dma_wait3A_202] : memref<2x128x128xf32, #tpu.memory_space<vmem>> -> memref<1x128x128xf32, #tpu.memory_space<vmem>>
    %dma_wait3A_204 = tpu.memref_squeeze %dma_wait3A_203 : memref<1x128x128xf32, #tpu.memory_space<vmem>> -> memref<128x128xf32, #tpu.memory_space<vmem>>
    %dma_wait3A_205 = arith.constant 0 : i32
    %dma_wait3A_206 = tpu.memref_slice %arg5[%arg0, %mul3A_22, %dma_wait3A_205] : memref<2x10240x128xf32, #tpu.memory_space<hbm>> -> memref<1x128x128xf32, #tpu.memory_space<hbm>>
    %dma_wait3A_207 = tpu.memref_squeeze %dma_wait3A_206 : memref<1x128x128xf32, #tpu.memory_space<hbm>> -> memref<128x128xf32, #tpu.memory_space<hbm>>
    %dma_wait3A_208 = arith.constant 0 : i32
    %dma_wait3A_209 = tpu.memref_slice %arg5[%arg0, %mul3A_22, %dma_wait3A_208] : memref<2x10240x128xf32, #tpu.memory_space<hbm>> -> memref<1x128x128xf32, #tpu.memory_space<hbm>>
    %dma_wait3A_210 = tpu.memref_squeeze %dma_wait3A_209 : memref<1x128x128xf32, #tpu.memory_space<hbm>> -> memref<128x128xf32, #tpu.memory_space<hbm>>
    %dma_wait3A_211 = arith.constant 0 : i32
    %dma_wait3A_212 = arith.constant 0 : i32
    %dma_wait3A_213 = tpu.memref_slice %arg8[%dma_wait3A_200, %dma_wait3A_211, %dma_wait3A_212] : memref<2x128x128xf32, #tpu.memory_space<vmem>> -> memref<1x128x128xf32, #tpu.memory_space<vmem>>
    %dma_wait3A_214 = tpu.memref_squeeze %dma_wait3A_213 : memref<1x128x128xf32, #tpu.memory_space<vmem>> -> memref<128x128xf32, #tpu.memory_space<vmem>>
    tpu.wait_dma2 semaphore(%arg13 : memref<!tpu.dma_semaphore, #tpu.memory_space<semaphore_mem>>) src(%dma_wait3A_214 : memref<128x128xf32, #tpu.memory_space<vmem>>) dst(%dma_wait3A_210 : memref<128x128xf32, #tpu.memory_space<hbm>>)
    return
  }
}

module attributes {stable_mosaic.version = 14 : i64} {
  func.func @_msg_body(%arg0: i32, %arg1: memref<10000x128xf32, #tpu.memory_space<vmem>>, %arg2: memref<128x128xf32, #tpu.memory_space<vmem>>, %arg3: memref<1x128xf32, #tpu.memory_space<vmem>>, %arg4: memref<10000x128xf32, #tpu.memory_space<vmem>>) attributes {dimension_semantics = [#tpu.dimension_semantics<arbitrary>], iteration_bounds = array<i64: 1>, scalar_prefetch = 0 : i64, scratch_operands = 0 : i64, tpu.core_type = #tpu.core_type<tc>, window_params = [{transform_indices = @transform_0, window_bounds = array<i64: 10000, 128>}, {pipeline_mode = #tpu.pipeline_mode<synchronous>, transform_indices = @transform_1, window_bounds = array<i64: 128, 128>}, {pipeline_mode = #tpu.pipeline_mode<synchronous>, transform_indices = @transform_2, window_bounds = array<i64: 1, 128>}, {transform_indices = @transform_3, window_bounds = array<i64: 10000, 128>}]} {
    %get3A = arith.constant 0 : index
    %get3A_0 = arith.constant 0 : index
    %get3A_1 = vector.load %arg1[%get3A, %get3A_0] : memref<10000x128xf32, #tpu.memory_space<vmem>>, vector<10000x128xf32>
    %get3A_2 = arith.constant 0 : index
    %get3A_3 = arith.constant 0 : index
    %get3A_4 = vector.load %arg2[%get3A_2, %get3A_3] : memref<128x128xf32, #tpu.memory_space<vmem>>, vector<128x128xf32>
    %dot_general3A = arith.constant dense<0.000000e+00> : vector<10000x128xf32>
    %dot_general3A_5 = tpu.matmul %get3A_1, %get3A_4, %dot_general3A {dimension_numbers = #tpu.dot_dimension_numbers<[1], [0], [0], [1], [0, 0, 1, 1], [], []>, transpose_lhs_hint = false} : vector<10000x128xf32>, vector<128x128xf32>, vector<10000x128xf32> -> vector<10000x128xf32>
    %get3A_6 = arith.constant 0 : index
    %get3A_7 = arith.constant 0 : index
    %get3A_8 = vector.load %arg3[%get3A_6, %get3A_7] : memref<1x128xf32, #tpu.memory_space<vmem>>, vector<1x128xf32>
    %add3A = vector.broadcast %get3A_8 : vector<1x128xf32> to vector<10000x128xf32>
    %add3A_9 = arith.addf %dot_general3A_5, %add3A : vector<10000x128xf32>
    %max3A = arith.constant 0.000000e+00 : f32
    %max3A_10 = vector.broadcast %max3A : f32 to vector<10000x128xf32>
    %max3A_11 = arith.maximumf %add3A_9, %max3A_10 : vector<10000x128xf32>
    %swap3A = arith.constant 0 : index
    %swap3A_12 = arith.constant 0 : index
    %swap3A_13 = vector.load %arg4[%swap3A, %swap3A_12] : memref<10000x128xf32, #tpu.memory_space<vmem>>, vector<10000x128xf32>
    tpu.vector_store %arg4[%swap3A, %swap3A_12], %max3A_11 {strides = array<i32>} : memref<10000x128xf32, #tpu.memory_space<vmem>>, vector<10000x128xf32>,
    return
  }
  func.func @transform_0(%arg0: i32) -> (i32, i32) {
    %c0_i32 = arith.constant 0 : i32
    %c0_i32_0 = arith.constant 0 : i32
    return %arg0, %c0_i32 : i32, i32
  }
  func.func @transform_1(%arg0: i32) -> (i32, i32) {
    %c0_i32 = arith.constant 0 : i32
    %c0_i32_0 = arith.constant 0 : i32
    %c0_i32_1 = arith.constant 0 : i32
    return %c0_i32, %c0_i32_0 : i32, i32
  }
  func.func @transform_2(%arg0: i32) -> (i32, i32) {
    %c0_i32 = arith.constant 0 : i32
    %c0_i32_0 = arith.constant 0 : i32
    %c0_i32_1 = arith.constant 0 : i32
    return %c0_i32, %c0_i32_0 : i32, i32
  }
  func.func @transform_3(%arg0: i32) -> (i32, i32) {
    %c0_i32 = arith.constant 0 : i32
    %c0_i32_0 = arith.constant 0 : i32
    return %arg0, %c0_i32 : i32, i32
  }
}

module attributes {stable_mosaic.version = 14 : i64} {
  func.func @_self_body(%arg0: i32, %arg1: memref<10000x128xf32, #tpu.memory_space<vmem>>, %arg2: memref<128x128xf32, #tpu.memory_space<vmem>>, %arg3: memref<1x128xf32, #tpu.memory_space<vmem>>, %arg4: memref<10000x128xf32, #tpu.memory_space<vmem>>) attributes {dimension_semantics = [#tpu.dimension_semantics<arbitrary>], iteration_bounds = array<i64: 1>, scalar_prefetch = 0 : i64, scratch_operands = 0 : i64, tpu.core_type = #tpu.core_type<tc>, window_params = [{transform_indices = @transform_0, window_bounds = array<i64: 10000, 128>}, {pipeline_mode = #tpu.pipeline_mode<synchronous>, transform_indices = @transform_1, window_bounds = array<i64: 128, 128>}, {pipeline_mode = #tpu.pipeline_mode<synchronous>, transform_indices = @transform_2, window_bounds = array<i64: 1, 128>}, {transform_indices = @transform_3, window_bounds = array<i64: 10000, 128>}]} {
    %get3A = arith.constant 0 : index
    %get3A_0 = arith.constant 0 : index
    %get3A_1 = vector.load %arg1[%get3A, %get3A_0] : memref<10000x128xf32, #tpu.memory_space<vmem>>, vector<10000x128xf32>
    %get3A_2 = arith.constant 0 : index
    %get3A_3 = arith.constant 0 : index
    %get3A_4 = vector.load %arg2[%get3A_2, %get3A_3] : memref<128x128xf32, #tpu.memory_space<vmem>>, vector<128x128xf32>
    %dot_general3A = arith.constant dense<0.000000e+00> : vector<10000x128xf32>
    %dot_general3A_5 = tpu.matmul %get3A_1, %get3A_4, %dot_general3A {dimension_numbers = #tpu.dot_dimension_numbers<[1], [0], [0], [1], [0, 0, 1, 1], [], []>, transpose_lhs_hint = false} : vector<10000x128xf32>, vector<128x128xf32>, vector<10000x128xf32> -> vector<10000x128xf32>
    %get3A_6 = arith.constant 0 : index
    %get3A_7 = arith.constant 0 : index
    %get3A_8 = vector.load %arg3[%get3A_6, %get3A_7] : memref<1x128xf32, #tpu.memory_space<vmem>>, vector<1x128xf32>
    %add3A = vector.broadcast %get3A_8 : vector<1x128xf32> to vector<10000x128xf32>
    %add3A_9 = arith.addf %dot_general3A_5, %add3A : vector<10000x128xf32>
    %swap3A = arith.constant 0 : index
    %swap3A_10 = arith.constant 0 : index
    %swap3A_11 = vector.load %arg4[%swap3A, %swap3A_10] : memref<10000x128xf32, #tpu.memory_space<vmem>>, vector<10000x128xf32>
    tpu.vector_store %arg4[%swap3A, %swap3A_10], %add3A_9 {strides = array<i32>} : memref<10000x128xf32, #tpu.memory_space<vmem>>, vector<10000x128xf32>,
    return
  }
  func.func @transform_0(%arg0: i32) -> (i32, i32) {
    %c0_i32 = arith.constant 0 : i32
    %c0_i32_0 = arith.constant 0 : i32
    return %arg0, %c0_i32 : i32, i32
  }
  func.func @transform_1(%arg0: i32) -> (i32, i32) {
    %c0_i32 = arith.constant 0 : i32
    %c0_i32_0 = arith.constant 0 : i32
    %c0_i32_1 = arith.constant 0 : i32
    return %c0_i32, %c0_i32_0 : i32, i32
  }
  func.func @transform_2(%arg0: i32) -> (i32, i32) {
    %c0_i32 = arith.constant 0 : i32
    %c0_i32_0 = arith.constant 0 : i32
    %c0_i32_1 = arith.constant 0 : i32
    return %c0_i32, %c0_i32_0 : i32, i32
  }
  func.func @transform_3(%arg0: i32) -> (i32, i32) {
    %c0_i32 = arith.constant 0 : i32
    %c0_i32_0 = arith.constant 0 : i32
    return %arg0, %c0_i32 : i32, i32
  }
}

module attributes {stable_mosaic.version = 14 : i64} {
  func.func @_next_body(%arg0: i32, %arg1: memref<10000x128xf32, #tpu.memory_space<vmem>>, %arg2: memref<1x10000x128xf32, #tpu.memory_space<vmem>>, %arg3: memref<1x10000x128xf32, #tpu.memory_space<vmem>>, %arg4: memref<128x128xf32, #tpu.memory_space<vmem>>, %arg5: memref<10000x128xf32, #tpu.memory_space<vmem>>) attributes {dimension_semantics = [#tpu.dimension_semantics<arbitrary>], iteration_bounds = array<i64: 1>, scalar_prefetch = 0 : i64, scratch_operands = 0 : i64, tpu.core_type = #tpu.core_type<tc>, window_params = [{transform_indices = @transform_0, window_bounds = array<i64: 10000, 128>}, {transform_indices = @transform_1, window_bounds = array<i64: 1, 10000, 128>}, {transform_indices = @transform_2, window_bounds = array<i64: 1, 10000, 128>}, {pipeline_mode = #tpu.pipeline_mode<synchronous>, transform_indices = @transform_3, window_bounds = array<i64: 128, 128>}, {transform_indices = @transform_4, window_bounds = array<i64: 10000, 128>}]} {
    %get3A = arith.constant 0 : index
    %get3A_0 = arith.constant 0 : index
    %get3A_1 = arith.constant 0 : index
    %get3A_2 = vector.load %arg2[%get3A, %get3A_0, %get3A_1] : memref<1x10000x128xf32, #tpu.memory_space<vmem>>, vector<1x10000x128xf32>
    %get3A_3 = vector.shape_cast %get3A_2 : vector<1x10000x128xf32> to vector<10000x128xf32>
    %get3A_4 = arith.constant 0 : index
    %get3A_5 = arith.constant 0 : index
    %get3A_6 = arith.constant 0 : index
    %get3A_7 = vector.load %arg3[%get3A_4, %get3A_5, %get3A_6] : memref<1x10000x128xf32, #tpu.memory_space<vmem>>, vector<1x10000x128xf32>
    %get3A_8 = vector.shape_cast %get3A_7 : vector<1x10000x128xf32> to vector<10000x128xf32>
    %add3A = arith.addf %get3A_3, %get3A_8 : vector<10000x128xf32>
    %get3A_9 = arith.constant 0 : index
    %get3A_10 = arith.constant 0 : index
    %get3A_11 = vector.load %arg1[%get3A_9, %get3A_10] : memref<10000x128xf32, #tpu.memory_space<vmem>>, vector<10000x128xf32>
    %get3A_12 = arith.constant 0 : index
    %get3A_13 = arith.constant 0 : index
    %get3A_14 = vector.load %arg4[%get3A_12, %get3A_13] : memref<128x128xf32, #tpu.memory_space<vmem>>, vector<128x128xf32>
    %dot_general3A = arith.constant dense<0.000000e+00> : vector<10000x128xf32>
    %dot_general3A_15 = tpu.matmul %add3A, %get3A_14, %dot_general3A {dimension_numbers = #tpu.dot_dimension_numbers<[1], [0], [0], [1], [0, 0, 1, 1], [], []>, transpose_lhs_hint = false} : vector<10000x128xf32>, vector<128x128xf32>, vector<10000x128xf32> -> vector<10000x128xf32>
    %add3A_16 = arith.addf %get3A_11, %dot_general3A_15 : vector<10000x128xf32>
    %max3A = arith.constant 0.000000e+00 : f32
    %max3A_17 = vector.broadcast %max3A : f32 to vector<10000x128xf32>
    %max3A_18 = arith.maximumf %add3A_16, %max3A_17 : vector<10000x128xf32>
    %swap3A = arith.constant 0 : index
    %swap3A_19 = arith.constant 0 : index
    %swap3A_20 = vector.load %arg5[%swap3A, %swap3A_19] : memref<10000x128xf32, #tpu.memory_space<vmem>>, vector<10000x128xf32>
    tpu.vector_store %arg5[%swap3A, %swap3A_19], %max3A_18 {strides = array<i32>} : memref<10000x128xf32, #tpu.memory_space<vmem>>, vector<10000x128xf32>,
    return
  }
  func.func @transform_0(%arg0: i32) -> (i32, i32) {
    %c0_i32 = arith.constant 0 : i32
    %c0_i32_0 = arith.constant 0 : i32
    return %arg0, %c0_i32 : i32, i32
  }
  func.func @transform_1(%arg0: i32) -> (i32, i32, i32) {
    %c0_i32 = arith.constant 0 : i32
    %c0_i32_0 = arith.constant 0 : i32
    %c0_i32_1 = arith.constant 0 : i32
    return %c0_i32, %arg0, %c0_i32_0 : i32, i32, i32
  }
  func.func @transform_2(%arg0: i32) -> (i32, i32, i32) {
    %c1_i32 = arith.constant 1 : i32
    %c0_i32 = arith.constant 0 : i32
    %c0_i32_0 = arith.constant 0 : i32
    return %c1_i32, %arg0, %c0_i32 : i32, i32, i32
  }
  func.func @transform_3(%arg0: i32) -> (i32, i32) {
    %c0_i32 = arith.constant 0 : i32
    %c0_i32_0 = arith.constant 0 : i32
    %c0_i32_1 = arith.constant 0 : i32
    return %c0_i32, %c0_i32_0 : i32, i32
  }
  func.func @transform_4(%arg0: i32) -> (i32, i32) {
    %c0_i32 = arith.constant 0 : i32
    %c0_i32_0 = arith.constant 0 : i32
    return %arg0, %c0_i32 : i32, i32
  }
}

</mosaic_0001>

<sc_bundles>
// kernel: kernel.6.cloned.1.call-start
scs
__scs_entry_jumppad:
0x0: {  	(pc) =	sbr.rel $0x88, $3  }
0x1: {  	(tag) =	ssettag $0x0;
	lr =	simm.s32 $0x1  }
0x2: {  	[smem:$0x3F9B] =	sst lr;
	_ =	strace $0xD0000000  }
0x3: {  	_ = 	snop  }
0x4: {  	_ = 	snop  }
0x5: {  	_ = 	snop  }
0x6: {  	_ = 	snop  }
0x7: {  	_ = 	snop  }
__scs_overlays_trampoline_lowered:
0x8: {  	[smem:$0x3FAA] =	sst s0  }
0x9: {  	[smem:$0x3FAB] =	sst s1  }
0xa: {  	[smem:$0x3FAC] =	sst s2  }
0xb: {  	[smem:$0x3FAD] =	sst s3  }
0xc: {  	[smem:$0x3FAE] =	sst s4  }
0xd: {  	[smem:$0x3FAF] =	sst s5  }
0xe: {  	[smem:$0x3FB0] =	sst s6  }
0xf: {  	[smem:$0x3FB1] =	sst s7  }
0x10: {  	[smem:$0x3FB2] =	sst s8  }
0x11: {  	[smem:$0x3FB3] =	sst s9;
	s0 =	simm.s32 @!p0 $0x0  }
0x12: {  	s1 =	sld [smem:$0x3F99];
	s0 =	simm.s32 @p0 $0x1  }
0x13: {  	[smem:$0x3FB4] =	sst s0;
	s0 =	simm.s32 @!p1 $0x0  }
0x14: {  	s2 =	sld [smem:$0x3F98];
	s0 =	simm.s32 @p1 $0x1  }
0x15: {  	[smem:$0x3FB5] =	sst s0;
	s0 =	simm.s32 @!p2 $0x0  }
0x16: {  	s3 =	sld [smem:$0x3FDB];
	s0 =	simm.s32 @p2 $0x1  }
0x17: {  	s4 =	simm.s32 $0x1BF5;
	[smem:$0x3FB7] =	sst s0  }
0x18: {  	s0 =	sld [smem:$0x3F9A];
	_ =	swait.ge [sflag:s4], $0x0  }
0x19: {  	s7 =	sld [smem:$0x3F9B]  }
0x1a: {  	s8 =	sadd.s32 $0xFFFFE003, lr  }
0x1b: {  	s9 =	sadd.s32 $0xFFFFFEF7, lr;
	s5 =	simm.s32 $0xFFFFFFFF;
	p2 =	slt.u32 s8, $0xFFFFF086  }
0x1c: {  	p1 =	slt.u32 s9, $0xF7A;
	s5 =	simm.s32 @!p2 $0x0  }
0x1d: {  	s5 =	simm.s32 @p1 $0x1;
	p0 =	seq.s32 s7, s2  }
0x1e: {  	s7 =	smul.u32 @!p0 $0xF7A, s2;
	p2 =	seq.s32 @!p0 s5, $0x0  }
0x1f: {  	s9 =	smul.u32 $0xF7A, s1;
	s8 =	simm.s32 @!p0 $0x1BF5;
	p2 =	por !p2, p0  }
0x20: {  	[sflag:s8] =	ssyncset.s32 @!p0 $0xFFFFF086;
	s6 =	sadd.s32 @!p0 s3, s7;
	s7 =	simm.s32 @!p0 $0x108  }
0x21: {  	s3 =	sadd.s32 s3, s9;
	s6 =	sadd.s32 @!p0 $0x88, s6;
	s7 =	simm.s32 @p2 $0x1082  }
0x22: {  	[simem:s7], [sflag:s8] =	dma.local @!p0 [hbm:s6], $0xF7A  }
0x23: {  	s9 =	sor.u32 $0xD0000000, s2;
	s6 =	simm.s32 $0x108;
	_ =	swait.ge @!p0 [sflag:s8], $0x0  }
0x24: {  	s3 =	sadd.s32 $0x88, s3;
	s6 =	simm.s32 @!p1 $0x1082;
	[sflag:s4] =	ssyncset.s32 $0xFFFFF086  }
0x25: {  	[simem:s6], [sflag:s4] =	dma.local [hbm:s3], $0xF7A  }
0x26: {  	[smem:$0x3F9B] =	sst s1;
	(tag) =	ssettag s2;
	_ =	strace s9  }
0x27: {  	s1 =	sld [smem:$0x3FAB]  }
0x28: {  	s2 =	sld [smem:$0x3FAC]  }
0x29: {  	s4 =	sld [smem:$0x3FAE]  }
0x2a: {  	p0 =	seq.s32 s5, $0x0;
	s5 =	sld [smem:$0x3FAF]  }
0x2b: {  	s6 =	sld [smem:$0x3FB0]  }
0x2c: {  	s7 =	sld [smem:$0x3FB1]  }
0x2d: {  	s3 =	simm.s32 $0x108;
	s8 =	sld [smem:$0x3FB2]  }
0x2e: {  	s3 =	simm.s32 @!p0 $0x1082;
	s9 =	sld [smem:$0x3FB3]  }
0x2f: {  	lr =	sadd.s32 s0, s3;
	s0 =	sld [smem:$0x3FAA]  }
0x30: {  	s3 =	sld [smem:$0x3FAD]  }
0x31: {  	[smem:$0x3FB6] =	sst s10  }
0x32: {  	s10 =	sld [smem:$0x3FB4];
	_ =	sdelay $0x3  }
0x33: {  	p0 =	seq.s32 s10, $0x1;
	s10 =	sld [smem:$0x3FB6];
	_ =	sdelay $0x3  }
0x34: {  	[smem:$0x3FB6] =	sst s10  }
0x35: {  	s10 =	sld [smem:$0x3FB5];
	_ =	sdelay $0x3  }
0x36: {  	p1 =	seq.s32 s10, $0x1;
	s10 =	sld [smem:$0x3FB6];
	_ =	sdelay $0x3  }
0x37: {  	[smem:$0x3FB6] =	sst s10  }
0x38: {  	s10 =	sld [smem:$0x3FB7]  }
0x39: {  	_ = 	snop;
	(pc) =	sbr.ind lr, $3  }
0x3a: {  	_ = 	snop  }
0x3b: {  	_ = 	snop  }
0x3c: {  	p2 =	seq.s32 s10, $0x1;
	s10 =	sld [smem:$0x3FB6]  }
0x3d: {  	_ =	shalt  }
0x3e: {  	_ =	shalt  }
0x3f: {  	_ =	shalt  }
0x40: {  	_ =	shalt  }
0x41: {  	_ =	shalt  }
0x42: {  	_ =	shalt  }
0x43: {  	_ =	shalt  }
0x44: {  	_ =	shalt  }
0x45: {  	_ =	shalt  }
0x46: {  	_ =	shalt  }
0x47: {  	_ =	shalt  }
0x48: {  	_ =	shalt  }
0x49: {  	_ =	shalt  }
0x4a: {  	_ =	shalt  }
0x4b: {  	_ =	shalt  }
0x4c: {  	_ =	shalt  }
0x4d: {  	_ =	shalt  }
0x4e: {  	_ =	shalt  }
0x4f: {  	_ =	shalt  }
0x50: {  	_ =	shalt  }
0x51: {  	_ =	shalt  }
0x52: {  	_ =	shalt  }
0x53: {  	_ =	shalt  }
0x54: {  	_ =	shalt  }
0x55: {  	_ =	shalt  }
0x56: {  	_ =	shalt  }
0x57: {  	_ =	shalt  }
0x58: {  	_ =	shalt  }
0x59: {  	_ =	shalt  }
0x5a: {  	_ =	shalt  }
0x5b: {  	_ =	shalt  }
0x5c: {  	_ =	shalt  }
0x5d: {  	_ =	shalt  }
0x5e: {  	_ =	shalt  }
0x5f: {  	_ =	shalt  }
0x60: {  	_ =	shalt  }
0x61: {  	_ =	shalt  }
0x62: {  	_ =	shalt  }
0x63: {  	_ =	shalt  }
0x64: {  	_ =	shalt  }
0x65: {  	_ =	shalt  }
0x66: {  	_ =	shalt  }
0x67: {  	_ =	shalt  }
0x68: {  	_ =	shalt  }
0x69: {  	_ =	shalt  }
0x6a: {  	_ =	shalt  }
0x6b: {  	_ =	shalt  }
0x6c: {  	_ =	shalt  }
0x6d: {  	_ =	shalt  }
0x6e: {  	_ =	shalt  }
0x6f: {  	_ =	shalt  }
0x70: {  	_ =	shalt  }
0x71: {  	_ =	shalt  }
0x72: {  	_ =	shalt  }
0x73: {  	_ =	shalt  }
0x74: {  	_ =	shalt  }
0x75: {  	_ =	shalt  }
0x76: {  	_ =	shalt  }
0x77: {  	_ =	shalt  }
0x78: {  	_ =	shalt  }
0x79: {  	_ =	shalt  }
0x7a: {  	_ =	shalt  }
0x7b: {  	_ =	shalt  }
0x7c: {  	_ =	shalt  }
0x7d: {  	_ =	shalt  }
0x7e: {  	_ =	shalt  }
0x7f: {  	_ =	shalt  }
0x80: {  	_ =	shalt  }
0x81: {  	_ =	shalt  }
0x82: {  	_ =	shalt  }
0x83: {  	_ =	shalt  }
0x84: {  	_ =	shalt  }
0x85: {  	_ =	shalt  }
0x86: {  	_ =	shalt  }
0x87: {  	_ =	shalt  }
.Lfunc_end0:
.L_simem_size_0:
called_computation_lowered:
.L_overlay_start_0:
0x88: {  	s2 =	sld [smem:$0x3FD9]  }
0x89: {  	s3 =	sld [smem:$0x3FFE];
	_ =	sdelay $0x1  }
0x8a: {  	s1 =	srdreg.scid  }
0x8b: {  	s0 =	sand.u32 $0x1, s1  }
0x8c: {  	s17 =	sshll.u32 s0, $0xA;
	s2 =	sadd.s32 s3, s2  }
0x8d: {  	s2 =	sadd.s32 s2, s17  }
0x8e: {  	[smem:$0x3FC2] =	sst s2  }
0x8f: {  	_ = 	snop  }
0x90: {  	s2 =	sld [smem:$0x3FD0];
	(tm) =	ssettm $0x1  }
0x91: {  	s18 =	sld [smem:$0x3FFB];
	_ =	sdelay $0x3  }
0x92: {  	_ =	strace s18  }
0x93: {  	s3 =	sld [smem:$0x3FFC];
	_ =	sdelay $0x3  }
0x94: {  	_ =	strace s3  }
0x95: {  	s3 =	sld [smem:$0x3FFD];
	_ =	sdelay $0x3  }
0x96: {  	_ =	strace s3  }
0x97: {  	_ =	strace $0x8FFFFFFF  }
0x98: {  	s19 =	sld [smem:$0x3FDB];
	_ =	sdelay $0x1  }
0x99: {  	s4 =	simm.s32 $_scs_section_size  }
0x9a: {  	s5 =	simm.s32 $_size__tile_overlayer_lowered;
	s6 =	simm.s32 $_tile_overlayer_lowered  }
0x9b: {  	s22 =	simm.s32 $0x1BFF;
	s21 =	sshll.u32 s6, $0x1;
	s3 =	sadd.s32 s4, s19  }
0x9c: {  	s7 =	simm.s32 $0x0;
	s20 =	sshll.u32 s5, $0x1;
	s5 =	sadd.s32 s21, s3  }
0x9d: {  	[timem:s7], [sflag:s22] =	dma.local [hbm:s5], s20  }
0x9e: {  	_ =	swait.ge [sflag:s22], s20  }
0x9f: {  	s4 =	ssub.s32 $0x0, s20;
	[sflag:s22] =	ssyncset.done $0x0  }
0xa0: {  	[sflag:s22] =	ssyncadd.s32 s4;
	_ =	sdelay $0x1  }
0xa1: {  	s23 =	simm.s32 $0x1B8B  }
0xa2: {  	_ =	swait.ge [sflag:s23], $0x1  }
0xa3: {  	[sflag:s23] =	ssyncset.done $0x0  }
0xa4: {  	s25 =	simm.s32 $0x1B8E;
	s24 =	sld [smem:$0x3FFE];
	[sflag:s23] =	ssyncadd.s32 $0xFFFFFFFF  }
0xa5: {  	s26 =	simm.s32 $execute0_lowered;
	[smem:$0x3FD2] =	sst s25  }
0xa6: {  	s5 =	sshll.u32 s26, $0x1;
	_ =	strace $0x80000046;
	[dreg:$0x1] =	wrdreg $0xFFFFFFFF  }
0xa7: {  	s28 =	simm.s32 $_size_execute0_lowered;
	s3 =	sadd.s32 s3, s5;
	[dreg:$0x0] =	wrdreg $0x0  }
0xa8: {  	s5 =	sshll.u32 s28, $0x1;
	[dreg:$0x2] =	wrdreg s3  }
0xa9: {  	[dreg:$0x3] =	wrdreg s5  }
0xaa: {  	[dreg:$0x4] =	wrdreg $0xC0  }
0xab: {  	_ =	task [dreg:s7], $0x5FFFF  }
0xac: {  	[dreg:$0x1] =	wrdreg $0xFFFFFFFF  }
0xad: {  	[dreg:$0x0] =	wrdreg $0x60  }
0xae: {  	[dreg:$0x2] =	wrdreg s2  }
0xaf: {  	[dreg:$0x3] =	wrdreg s24  }
0xb0: {  	[dreg:$0x4] =	wrdreg $0x90000  }
0xb1: {  	[dreg:$0x5] =	wrdreg $0x9  }
0xb2: {  	_ =	task.clear_ibuf [dreg:s7], $0x6FFFF;
	_ =	strace $0x90000046  }
0xb3: {  	s29 =	simm.s32 $0x9;
	_ =	strace $0x80000048  }
0xb4: {  	_ =	swait.ge [sflag:s29], $0x1  }
0xb5: {  	[sflag:s29] =	ssyncadd.s32 $0xFFFFFFFF  }
0xb6: {  	_ =	strace $0x90000048  }
0xb7: {  	_ =	sfence  }
0xb8: {  	s30 =	sld [smem:$0x0];
	_ =	sdelay $0x2  }
0xb9: {  	s31 =	sshll.u32 s1, $0xD;
	s1 =	sshrl.u32 s1, $0x2  }
0xba: {  	s3 =	sand.u32 $0x4000, s31;
	s1 =	sadd.s32 s1, s30  }
0xbb: {  	s0 =	sor.u32 s3, s0;
	s1 =	sshll.u32 s1, $0x11  }
0xbc: {  	s0 =	sor.u32 s1, s0  }
0xbd: {  	s0 =	sadd.s32 $0x8F2B, s0  }
0xbe: {  	[sflag:s0] =	ssyncadd.remote.s32 $0x1  }
0xbf: {  	_ =	sfence.sel $0xFFFF  }
0xc0: {  	[dreg:$0x0] =	wrdreg $0xFFFFFFFF;
	(pc) =	sbr.abs _section_cstart, $3  }
0xc1: {  	[dreg:$0x1] =	wrdreg $0xFFFFFFFF  }
0xc2: {  	_ =	task.clear_ibuf [dreg:s7], $0x2FFFF;
	_ =	strace $0x9FFFFFFF  }
0xc3: {  	(tm) =	ssettm $0x7FFFFFFF  }
tec
execute0_lowered:
.L_overlay_start_1:
0x0: {  	(tag) =	ssettag $0x1  }
0x1: {  	s0 =	rddreg [dreg:$0x0]  }
0x2: {  	s2 =	rddreg [dreg:$0x1]  }
0x3: {  	s1 =	srdreg.scid;
	s3 =	rddreg [dreg:$0x2]  }
0x4: {  	s13 =	stileid.u32;
	s4 =	simm.s32 $0x0;
	s28 =	simm.s32 $0x5000  }
0x5: {  	s29 =	simm.s32 $0x1000;
	s30 =	simm.s32 $0x1;
	s31 =	simm.s32 $0x3  }
0x6: {  	s1 =	sand.u32 $0x1, s1;
	[smem:$0x7FF] =	sst s4;
	s7 =	smul.u32 $0x50000, s13  }
0x7: {  	s6 =	sadd.s32 $0xE00, s2;
	s8 =	sadd.s32 $0xAE00, s2;
	s14 =	smul.u32 $0x14000, s13  }
0x8: {  	s2 =	sadd.s32 $0x14E00, s2;
	s5 =	sshll.u32 s1, $0x4;
	s10 =	smul.u32 $0x140000, s1  }
0x9: {  	_ =	strace $0x80000047;
	s9 =	ssub.s32 $0x2, s1;
	s1 =	smul.u32 $0x28000, s1  }
0xa: {  	s5 =	sor.u32 s13, s5;
	s11 =	sshrl.u32 s9, $0x1;
	s15 =	sshrl.u32 s7, $0x2  }
0xb: {  	s18 =	sadd.s32 $0x4000, s14;
	s25 =	sadd.s32 $0x10000, s14;
	s5 =	smul.u32 $0x2800, s5  }
0xc: {  	s9 =	ssub.s32 s9, s11;
	s16 =	sadd.s32 s14, s10;
	s7 =	sadd.s32 s15, s3  }
0xd: {  	s19 =	sadd.s32 s10, s18;
	s11 =	sadd.s32 s18, s3;
	s15 =	sadd.s32 $0xC000, s14  }
0xe: {  	s18 =	smul.u32 $0x2800, s13;
	s17 =	sshrl.u32 s16, $0x3;
	[dreg:$0x7] =	wrdreg s11  }
0xf: {  	s23 =	sadd.s32 s15, s3;
	s24 =	sadd.s32 s10, s15;
	s5 =	sshrl.u32 s5, $0x3  }
0x10: {  	s15 =	sadd.s32 s25, s3;
	[dreg:$0xb] =	wrdreg s23;
	s12 =	sadd.s32 s6, s5  }
0x11: {  	s1 =	sadd.s32 s18, s1;
	s5 =	sadd.s32 s8, s5;
	[dreg:$0x4] =	wrdreg s12  }
0x12: {  	s18 =	sadd.s32 $0x4000, s7;
	s1 =	sor.u32 $0x400, s1;
	[dreg:$0x5] =	wrdreg s5  }
0x13: {  	s5 =	sadd.s32 s2, s17;
	s12 =	sadd.s32 $0x8000, s14;
	s17 =	smax.u32 s9, $0x1  }
0x14: {  	s1 =	sshrl.u32 s1, $0x3;
	[dreg:$0x6] =	wrdreg s5;
	s5 =	sshrl.u32 s19, $0x3  }
0x15: {  	s20 =	sadd.s32 s10, s12;
	s22 =	sadd.s32 s12, s3;
	s10 =	sadd.s32 s10, s25  }
0x16: {  	s19 =	sadd.s32 $0x8000, s7;
	s23 =	sadd.s32 s1, s6;
	s25 =	simm.s32 $0x0  }
0x17: {  	s5 =	sadd.s32 s2, s5;
	s21 =	sshrl.u32 s20, $0x3;
	[dreg:$0x9] =	wrdreg s22  }
.Ltmp0:
0x18: {  	s26 =	sshrl.u32 s10, $0x3;
	s20 =	sadd.s32 $0xC000, s7;
	(pc) =	sbr.rel .LBB2_1-.Ltmp0, $4  }
0x19: {  	s22 =	sadd.s32 s1, s8;
	s1 =	simm.s32 $0x2;
	[dreg:$0x8] =	wrdreg s5  }
0x1a: {  	s5 =	sadd.s32 s2, s21;
	s16 =	sadd.s32 s2, s26;
	s21 =	sadd.s32 $0x10000, s7  }
0x1b: {  	s26 =	simm.s32 $0x80;
	[dreg:$0xa] =	wrdreg s5;
	s5 =	sshrl.u32 s24, $0x3  }
0x1c: {  	v0 =	vimm.f32 $0.0e+00;
	s24 =	simm.s32 $0x5;
	s14 =	sadd.s32 s2, s5;
	s2 =	simm.s32 $0x4  }
.LBB2_5:
0x1d: {  	_ =	swait.ge [sflag:s1], $0x4000  }
0x1e: {  	[sflag:s1] =	ssyncset.done $0x0  }
0x1f: {  	s5 =	sor.u32 $0x800, s10;
	[sflag:s1] =	ssyncadd.s32 $0xFFFFC000  }
0x20: {  	[spmem:s3] =	stream.indirect.scatter.add.f32 [tilespmem:s28], [sflag:$0x4], $0x80, s5, s26, $0xb8;
	[tilespmem:$0x1D000] =	vst v63  }
0x21: {  	_ =	swait.ge [sflag:s2], $0x4000  }
0x22: {  	[sflag:s2] =	ssyncset.done $0x0  }
0x23: {  	[sflag:s2] =	ssyncadd.s32 $0xFFFFC000  }
.LBB2_7:
0x24: {  	[bflag:$0x0] =	sbarrier.arrive $0xFFFF  }
0x25: {  	[tilespmem:s29], [sflag:$0x5] =	stream.linear.gather [spmem:s7], $0x4000, $0x38;
	[tilespmem:$0x1D000] =	vst v63  }
0x26: {  	_ =	swait.ge [sflag:s24], $0x4000  }
0x27: {  	[sflag:s24] =	ssyncset.done $0x0  }
0x28: {  	s5 =	rddreg [dreg:$0x6];
	[sflag:s24] =	ssyncadd.s32 $0xFFFFC000  }
0x29: {  	[hbm4b:s5+s4] =	stream.linear.scatter [tilespmem:s29], [sflag:$0x3], $0x4000, $0x38;
	[tilespmem:$0x1D000] =	vst v63  }
0x2a: {  	s9 =	rddreg [dreg:$0x7]  }
0x2b: {  	[tilespmem:s28], [sflag:$0x5] =	stream.linear.gather [spmem:s9], $0x4000, $0x38;
	[tilespmem:$0x1D000] =	vst v63  }
0x2c: {  	_ =	swait.ge [sflag:s24], $0x4000  }
0x2d: {  	[sflag:s24] =	ssyncset.done $0x0  }
0x2e: {  	s10 =	rddreg [dreg:$0x8];
	[sflag:s24] =	ssyncadd.s32 $0xFFFFC000  }
0x2f: {  	[hbm4b:s10+s4] =	stream.linear.scatter [tilespmem:s28], [sflag:$0x4], $0x4000, $0x38;
	[tilespmem:$0x1D000] =	vst v63  }
0x30: {  	_ =	swait.ge [sflag:s31], $0x4000  }
0x31: {  	[sflag:s31] =	ssyncset.done $0x0  }
0x32: {  	s11 =	rddreg [dreg:$0x9];
	[sflag:s31] =	ssyncadd.s32 $0xFFFFC000  }
0x33: {  	[tilespmem:s29], [sflag:$0x5] =	stream.linear.gather [spmem:s11], $0x4000, $0x38;
	[tilespmem:$0x1D000] =	vst v63  }
0x34: {  	_ =	swait.ge [sflag:s24], $0x4000  }
0x35: {  	[sflag:s24] =	ssyncset.done $0x0  }
0x36: {  	s12 =	rddreg [dreg:$0xa];
	[sflag:s24] =	ssyncadd.s32 $0xFFFFC000  }
0x37: {  	[hbm4b:s12+s4] =	stream.linear.scatter [tilespmem:s29], [sflag:$0x3], $0x4000, $0x38;
	[tilespmem:$0x1D000] =	vst v63  }
0x38: {  	_ =	swait.ge [sflag:s2], $0x4000  }
0x39: {  	[sflag:s2] =	ssyncset.done $0x0  }
0x3a: {  	s13 =	rddreg [dreg:$0xb];
	[sflag:s2] =	ssyncadd.s32 $0xFFFFC000  }
0x3b: {  	[tilespmem:s28], [sflag:$0x5] =	stream.linear.gather [spmem:s13], $0x4000, $0x38;
	[tilespmem:$0x1D000] =	vst v63  }
0x3c: {  	_ =	swait.ge [sflag:s24], $0x4000  }
0x3d: {  	[sflag:s24] =	ssyncset.done $0x0  }
0x3e: {  	[sflag:s24] =	ssyncadd.s32 $0xFFFFC000  }
0x3f: {  	[hbm4b:s14+s4] =	stream.linear.scatter [tilespmem:s28], [sflag:$0x4], $0x4000, $0x38;
	[tilespmem:$0x1D000] =	vst v63  }
0x40: {  	_ =	swait.ge [sflag:s31], $0x4000  }
0x41: {  	[sflag:s31] =	ssyncset.done $0x0  }
0x42: {  	[sflag:s31] =	ssyncadd.s32 $0xFFFFC000  }
0x43: {  	[tilespmem:s29], [sflag:$0x5] =	stream.linear.gather [spmem:s15], $0x4000, $0x38;
	[tilespmem:$0x1D000] =	vst v63  }
0x44: {  	_ =	swait.ge [sflag:s24], $0x4000  }
0x45: {  	[sflag:s24] =	ssyncset.done $0x0  }
0x46: {  	s25 =	sadd.s32 $0x1, s25;
	[sflag:s24] =	ssyncadd.s32 $0xFFFFC000  }
0x47: {  	[hbm4b:s16+s4] =	stream.linear.scatter [tilespmem:s29], [sflag:$0x3], $0x4000, $0x38;
	[tilespmem:$0x1D000] =	vst v63  }
0x48: {  	p0 =	sne.s32 s25, s17;
	_ =	swait.ge [sflag:s31], $0x4000  }
.Ltmp1:
0x49: {  	[sflag:s31] =	ssyncset.done $0x0;
	(pc) =	sbr.rel @!p0 .LBB2_8-.Ltmp1, $4  }
0x4a: {  	[sflag:s31] =	ssyncadd.s32 $0xFFFFC000  }
0x4b: {  	_ =	swait.ge [sflag:s2], $0x4000  }
0x4c: {  	[sflag:s2] =	ssyncset.done $0x0  }
0x4d: {  	[sflag:s2] =	ssyncadd.s32 $0xFFFFC000  }
.LBB2_1:
0x4e: {  	s5 =	rddreg [dreg:$0x4]  }
0x4f: {  	[tilespmem:s4], [sflag:$0x5] =	stream.linear.gather [hbm4b:s5+s4], $0x400, $0x38;
	[tilespmem:$0x1D000] =	vst v63  }
0x50: {  	_ =	swait.ge [sflag:s24], $0x400  }
0x51: {  	[sflag:s24] =	ssyncset.done $0x0  }
0x52: {  	s6 =	simm.s32 $0x800;
	s11 =	rddreg [dreg:$0x5];
	[sflag:s24] =	ssyncadd.s32 $0xFFFFFC00  }
0x53: {  	[tilespmem:s6], [sflag:$0x5] =	stream.linear.gather [hbm4b:s11+s4], $0x400, $0x38;
	[tilespmem:$0x1D000] =	vst v63  }
0x54: {  	s12 =	sand.u32 $0xFE00, s4;
	s13 =	sand.u32 $0x70, s4;
	_ =	swait.ge [sflag:s24], $0x400  }
0x55: {  	s8 =	sshrl.u32 s12, $0x2;
	s5 =	simm.s32 $0x40;
	[sflag:s24] =	ssyncset.done $0x0  }
0x56: {  	s8 =	sor.u32 s13, s8;
	s6 =	simm.s32 $0x0;
	[sflag:s24] =	ssyncadd.s32 $0xFFFFFC00  }
0x57: {  	[tilespmem:s28], [sflag:$0x2] =	stream.indirect.gather [hbm4b:s0+s26], $0x80, s26, s26, $0xb8;
	[tilespmem:$0x1D000] =	vst v63  }
.LBB2_2:
0x58: {  	p0 =	sne.s32 s5, $0xFFC0  }
0x59: {  	[tilespmem:s8+$0x1000] =	vst v0;
	s6 =	sadd.s32 $0x10, s6;
	s8 =	smov.u32 s5;
	s5 =	sadd.s32 $0x40, s5  }
.Ltmp2:
0x5a: {  	(pc) =	sbr.rel @p0 .LBB2_2-.Ltmp2, $4  }
0x5b: {  	_ = 	snop  }
0x5c: {  	s8 =	sand.u32 $0xFE00, s8  }
0x5d: {  	s9 =	sand.u32 $0x70, s6;
	s8 =	sshrl.u32 s8, $0x2  }
0x5e: {  	s8 =	sor.u32 s9, s8  }
0x5f: {  	[tilespmem:s8+$0x1000] =	vst v0  }
0x60: {  	[spmem:s7] =	stream.linear.scatter [tilespmem:s29], [sflag:$0x5], $0x4000, $0x38;
	[tilespmem:$0x1D000] =	vst v63  }
0x61: {  	_ =	swait.ge [sflag:s24], $0x4000  }
0x62: {  	[sflag:s24] =	ssyncset.done $0x0  }
0x63: {  	[sflag:s24] =	ssyncadd.s32 $0xFFFFC000  }
0x64: {  	[spmem:s18] =	stream.linear.scatter [tilespmem:s29], [sflag:$0x5], $0x4000, $0x38;
	[tilespmem:$0x1D000] =	vst v63  }
0x65: {  	_ =	swait.ge [sflag:s24], $0x4000  }
0x66: {  	[sflag:s24] =	ssyncset.done $0x0  }
0x67: {  	[sflag:s24] =	ssyncadd.s32 $0xFFFFC000  }
0x68: {  	[spmem:s19] =	stream.linear.scatter [tilespmem:s29], [sflag:$0x5], $0x4000, $0x38;
	[tilespmem:$0x1D000] =	vst v63  }
0x69: {  	_ =	swait.ge [sflag:s24], $0x4000  }
0x6a: {  	[sflag:s24] =	ssyncset.done $0x0  }
0x6b: {  	[sflag:s24] =	ssyncadd.s32 $0xFFFFC000  }
0x6c: {  	[spmem:s20] =	stream.linear.scatter [tilespmem:s29], [sflag:$0x5], $0x4000, $0x38;
	[tilespmem:$0x1D000] =	vst v63  }
0x6d: {  	_ =	swait.ge [sflag:s24], $0x4000  }
0x6e: {  	[sflag:s24] =	ssyncset.done $0x0  }
0x6f: {  	[sflag:s24] =	ssyncadd.s32 $0xFFFFC000  }
0x70: {  	[spmem:s21] =	stream.linear.scatter [tilespmem:s29], [sflag:$0x5], $0x4000, $0x38;
	[tilespmem:$0x1D000] =	vst v63  }
0x71: {  	_ =	swait.ge [sflag:s24], $0x4000  }
0x72: {  	[sflag:s24] =	ssyncset.done $0x0  }
0x73: {  	s5 =	simm.s32 $0x0;
	[sflag:s24] =	ssyncadd.s32 $0xFFFFC000  }
0x74: {  	s6 =	simm.s32 $0x1;
	s8 =	simm.s32 $0x0;
	[bflag:$0x0] =	sbarrier.arrive $0xFFFF  }
0x75: {  	[tilespmem:s29], [sflag:$0x1] =	stream.indirect.gather [hbm4b:s0+s26], $0x80, s5, s26, $0xb8;
	[tilespmem:$0x1D000] =	vst v63  }
.LBB2_4:
0x76: {  	s9 =	sand.u32 $0x1, s6;
	p0 =	seq.s32 s5, $0x480  }
0x77: {  	s10 =	sshll.u32 @!p0 s9, $0xA;
	s11 =	sadd.s32 @!p0 s5, s23;
	s12 =	simm.s32 @!p0 $0x0  }
0x78: {  	[tilespmem:s10], [sflag:$0x5] =	stream.linear.gather @!p0 [hbm4b:s11+s12], $0x400, $0x38;
	[tilespmem:$0x1D000] =	vst v63  }
0x79: {  	s11 =	simm.s32 @!p0 $0x5  }
0x7a: {  	_ =	swait.ge @!p0 [sflag:s11], $0x400  }
0x7b: {  	[sflag:s11] =	ssyncset.done @!p0 $0x0  }
0x7c: {  	s13 =	sadd.s32 @!p0 s5, s22;
	s10 =	sor.u32 @!p0 $0x800, s10;
	[sflag:s11] =	ssyncadd.s32 @!p0 $0xFFFFFC00  }
0x7d: {  	[tilespmem:s10], [sflag:$0x5] =	stream.linear.gather @!p0 [hbm4b:s13+s12], $0x400, $0x38;
	[tilespmem:$0x1D000] =	vst v63  }
0x7e: {  	_ =	swait.ge @!p0 [sflag:s11], $0x400  }
0x7f: {  	[sflag:s11] =	ssyncset.done @!p0 $0x0  }
0x80: {  	[sflag:s11] =	ssyncadd.s32 @!p0 $0xFFFFFC00  }
0x81: {  	_ =	swait.ge [sflag:s30], $0x4000  }
0x82: {  	s11 =	sand.u32 $0x400, s8;
	[sflag:s30] =	ssyncset.done $0x0  }
0x83: {  	s13 =	sor.u32 $0x800, s11;
	[sflag:s30] =	ssyncadd.s32 $0xFFFFC000  }
0x84: {  	[spmem:s3] =	stream.indirect.scatter.add.f32 [tilespmem:s29], [sflag:$0x3], $0x80, s13, s26, $0xb8;
	[tilespmem:$0x1D000] =	vst v63  }
0x85: {  	_ =	swait.ge [sflag:s31], $0x4000  }
0x86: {  	[sflag:s31] =	ssyncset.done $0x0  }
0x87: {  	s12 =	sor.u32 $0x100, s11;
	[sflag:s31] =	ssyncadd.s32 $0xFFFFC000  }
0x88: {  	[tilespmem:s29], [sflag:$0x1] =	stream.indirect.gather [hbm4b:s0+s26], $0x80, s12, s26, $0xb8;
	[tilespmem:$0x1D000] =	vst v63  }
0x89: {  	_ =	swait.ge [sflag:s1], $0x4000  }
0x8a: {  	[sflag:s1] =	ssyncset.done $0x0  }
0x8b: {  	s13 =	sor.u32 $0x880, s11;
	[sflag:s1] =	ssyncadd.s32 $0xFFFFC000  }
0x8c: {  	[spmem:s3] =	stream.indirect.scatter.add.f32 [tilespmem:s28], [sflag:$0x4], $0x80, s13, s26, $0xb8;
	[tilespmem:$0x1D000] =	vst v63  }
0x8d: {  	_ =	swait.ge [sflag:s2], $0x4000  }
0x8e: {  	[sflag:s2] =	ssyncset.done $0x0  }
0x8f: {  	s12 =	sor.u32 $0x180, s11;
	[sflag:s2] =	ssyncadd.s32 $0xFFFFC000  }
0x90: {  	[tilespmem:s28], [sflag:$0x2] =	stream.indirect.gather [hbm4b:s0+s26], $0x80, s12, s26, $0xb8;
	[tilespmem:$0x1D000] =	vst v63  }
0x91: {  	_ =	swait.ge [sflag:s30], $0x4000  }
0x92: {  	[sflag:s30] =	ssyncset.done $0x0  }
0x93: {  	s13 =	sor.u32 $0x900, s11;
	[sflag:s30] =	ssyncadd.s32 $0xFFFFC000  }
0x94: {  	[spmem:s3] =	stream.indirect.scatter.add.f32 [tilespmem:s29], [sflag:$0x3], $0x80, s13, s26, $0xb8;
	[tilespmem:$0x1D000] =	vst v63  }
0x95: {  	_ =	swait.ge [sflag:s31], $0x4000  }
0x96: {  	[sflag:s31] =	ssyncset.done $0x0  }
0x97: {  	s12 =	sor.u32 $0x200, s11;
	[sflag:s31] =	ssyncadd.s32 $0xFFFFC000  }
0x98: {  	[tilespmem:s29], [sflag:$0x1] =	stream.indirect.gather [hbm4b:s0+s26], $0x80, s12, s26, $0xb8;
	[tilespmem:$0x1D000] =	vst v63  }
0x99: {  	_ =	swait.ge [sflag:s1], $0x4000  }
0x9a: {  	[sflag:s1] =	ssyncset.done $0x0  }
0x9b: {  	s13 =	sor.u32 $0x980, s11;
	[sflag:s1] =	ssyncadd.s32 $0xFFFFC000  }
0x9c: {  	[spmem:s3] =	stream.indirect.scatter.add.f32 [tilespmem:s28], [sflag:$0x4], $0x80, s13, s26, $0xb8;
	[tilespmem:$0x1D000] =	vst v63  }
0x9d: {  	_ =	swait.ge [sflag:s2], $0x4000  }
0x9e: {  	[sflag:s2] =	ssyncset.done $0x0  }
0x9f: {  	s12 =	sor.u32 $0x280, s11;
	[sflag:s2] =	ssyncadd.s32 $0xFFFFC000  }
0xa0: {  	[tilespmem:s28], [sflag:$0x2] =	stream.indirect.gather [hbm4b:s0+s26], $0x80, s12, s26, $0xb8;
	[tilespmem:$0x1D000] =	vst v63  }
0xa1: {  	_ =	swait.ge [sflag:s30], $0x4000  }
0xa2: {  	[sflag:s30] =	ssyncset.done $0x0  }
0xa3: {  	s13 =	sor.u32 $0xA00, s11;
	[sflag:s30] =	ssyncadd.s32 $0xFFFFC000  }
0xa4: {  	[spmem:s3] =	stream.indirect.scatter.add.f32 [tilespmem:s29], [sflag:$0x3], $0x80, s13, s26, $0xb8;
	[tilespmem:$0x1D000] =	vst v63  }
0xa5: {  	_ =	swait.ge [sflag:s31], $0x4000  }
0xa6: {  	[sflag:s31] =	ssyncset.done $0x0  }
0xa7: {  	s12 =	sor.u32 $0x300, s11;
	[sflag:s31] =	ssyncadd.s32 $0xFFFFC000  }
0xa8: {  	[tilespmem:s29], [sflag:$0x1] =	stream.indirect.gather [hbm4b:s0+s26], $0x80, s12, s26, $0xb8;
	[tilespmem:$0x1D000] =	vst v63  }
0xa9: {  	_ =	swait.ge [sflag:s1], $0x4000  }
0xaa: {  	[sflag:s1] =	ssyncset.done $0x0  }
0xab: {  	s13 =	sor.u32 $0xA80, s11;
	[sflag:s1] =	ssyncadd.s32 $0xFFFFC000  }
0xac: {  	[spmem:s3] =	stream.indirect.scatter.add.f32 [tilespmem:s28], [sflag:$0x4], $0x80, s13, s26, $0xb8;
	[tilespmem:$0x1D000] =	vst v63  }
0xad: {  	_ =	swait.ge [sflag:s2], $0x4000  }
0xae: {  	[sflag:s2] =	ssyncset.done $0x0  }
0xaf: {  	s10 =	sor.u32 $0x380, s11;
	[sflag:s2] =	ssyncadd.s32 $0xFFFFC000  }
0xb0: {  	[tilespmem:s28], [sflag:$0x2] =	stream.indirect.gather [hbm4b:s0+s26], $0x80, s10, s26, $0xb8;
	[tilespmem:$0x1D000] =	vst v63  }
0xb1: {  	_ =	swait.ge [sflag:s30], $0x4000  }
0xb2: {  	p0 =	sne.s32 s5, $0x480;
	[sflag:s30] =	ssyncset.done $0x0  }
.Ltmp3:
0xb3: {  	s11 =	sor.u32 $0xB00, s11;
	[sflag:s30] =	ssyncadd.s32 $0xFFFFC000;
	(pc) =	sbr.rel @!p0 .LBB2_5-.Ltmp3, $4  }
0xb4: {  	[spmem:s3] =	stream.indirect.scatter.add.f32 [tilespmem:s29], [sflag:$0x3], $0x80, s11, s26, $0xb8;
	[tilespmem:$0x1D000] =	vst v63  }
0xb5: {  	_ =	swait.ge [sflag:s31], $0x4000  }
0xb6: {  	[sflag:s31] =	ssyncset.done $0x0  }
0xb7: {  	[sflag:s31] =	ssyncadd.s32 $0xFFFFC000  }
0xb8: {  	s9 =	sshll.u32 s9, $0xA  }
0xb9: {  	[tilespmem:s29], [sflag:$0x1] =	stream.indirect.gather [hbm4b:s0+s26], $0x80, s9, s26, $0xb8;
	[tilespmem:$0x1D000] =	vst v63  }
0xba: {  	_ =	swait.ge [sflag:s1], $0x4000  }
0xbb: {  	s5 =	sadd.s32 $0x80, s5;
	[sflag:s1] =	ssyncset.done $0x0  }
0xbc: {  	s10 =	sor.u32 $0x800, s10;
	p0 =	sne.s32 s5, $0x500;
	[sflag:s1] =	ssyncadd.s32 $0xFFFFC000  }
0xbd: {  	[spmem:s3] =	stream.indirect.scatter.add.f32 [tilespmem:s28], [sflag:$0x4], $0x80, s10, s26, $0xb8;
	[tilespmem:$0x1D000] =	vst v63  }
.Ltmp4:
0xbe: {  	_ = 	snop;
	(pc) =	sbr.rel @p0 .LBB2_4-.Ltmp4, $4  }
.Ltmp5:
0xbf: {  	_ =	swait.ge [sflag:s2], $0x4000;
	(pc) =	sbr.rel @!p0 .LBB2_7-.Ltmp5, $4  }
0xc0: {  	s8 =	sadd.s32 $0x400, s8;
	[sflag:s2] =	ssyncset.done $0x0  }
0xc1: {  	s6 =	sadd.s32 $0x1, s6;
	s9 =	sor.u32 $0x80, s9;
	[sflag:s2] =	ssyncadd.s32 $0xFFFFC000  }
0xc2: {  	[tilespmem:s28], [sflag:$0x2] =	stream.indirect.gather [hbm4b:s0+s26], $0x80, s9, s26, $0xb8;
	[tilespmem:$0x1D000] =	vst v63  }
0xc3: {  	_ = 	snop  }
.LBB2_8:
0xc4: {  	_ =	sfence.sel $0x180000  }
0xc5: {  	[bflag:$0x0] =	sbarrier.arrive $0xFFFF  }
0xc6: {  	_ =	strace $0x90000047  }
0xc7: {  	s0 =	stileid.u32;
	[bflag:$0x2] =	sbarrier.arrive $0xFFFF  }
0xc8: {  	p0 =	sne.s32 s0, $0x0;
	s0 =	rddreg [dreg:$0x3]  }
0xc9: {  	s0 =	sadd.s32 @!p0 $0x100000, s0  }
0xca: {  	[sflag:s0] =	ssyncadd.tile.s32 @!p0 $0x1;
	_ =	shalt  }
.Lfunc_end2:
_tile_overlayer_lowered:
.L_overlay_start_2:
0xcb: {  	(tag) =	ssettag $0x2  }
0xcc: {  	s0 =	rddreg [dreg:$0x0];
	s2 =	stileid.u32  }
0xcd: {  	s1 =	rddreg [dreg:$0x1];
	p0 =	sne.s32 s2, $0x0  }
0xce: {  	s3 =	rddreg [dreg:$0x2];
	[bflag:$0x3] =	sbarrier.arrive $0xFFFF;
	s2 =	simm.s32 @!p0 $0x1C05  }
0xcf: {  	[timem:s3], [sflag:s2] =	dma.local @!p0 [hbm:s0], s1  }
0xd0: {  	s0 =	simm.s32 @!p0 $0x5  }
0xd1: {  	_ =	swait.ge @!p0 [sflag:s0], s1  }
0xd2: {  	s1 =	ssub.s32 @!p0 $0x0, s1;
	[sflag:s0] =	ssyncset.done @!p0 $0x0  }
0xd3: {  	[sflag:s0] =	ssyncadd.s32 @!p0 s1  }
0xd4: {  	[bflag:$0x3] =	sbarrier.arrive $0xFFFF  }
0xd5: {  	_ =	shalt  }

</sc_bundles>
